<compile_context>
chip_gen: v7x
topology: tpu7x:2x2x1
jax: 0.10.2.dev20260603
libtpu: 0.0.44.dev20260713+nightly
codegen_flags: <defaults>
</compile_context>

<pallas_src>
import jax
import jax.numpy as jnp
from jax import lax
from jax.experimental import pallas as pl
from jax.experimental.pallas import tpu as pltpu
from jax.experimental.pallas import tpu_sc as plsc

_VOCAB = 100000
_HID = 128
_NV = _HID // 16
_SEQ = 200
_BATCH = 1024
_EPS = 1e-12
_NW = 32
_TOK = _BATCH * _SEQ
_PER_W = _TOK // _NW
_CHUNK = 128
_NCHUNK = _PER_W // _CHUNK


def _rsqrt16(v):
    i = plsc.bitcast(v, jnp.int32)
    i = jnp.int32(0x5F3759DF) - (i >> 1)
    y = plsc.bitcast(i, jnp.float32)
    half = v * jnp.float32(0.5)
    for _ in range(3):
        y = y * (jnp.float32(1.5) - half * y * y)
    return y


def _tec_body(ids_hbm, tt_hbm, word_hbm, pos_hbm, type_hbm, gam_hbm, bet_hbm,
              out_hbm, pt_v, ty_v, wrows_v, idsw_v, ttw_v, gam_v, bet_v,
              stats_v, prow_v, sums_v, gsem, osem):
    wid = lax.axis_index("s") * 2 + lax.axis_index("c")

    pltpu.sync_copy(ids_hbm.at[pl.ds(wid * _PER_W, _PER_W)], idsw_v)
    pltpu.sync_copy(tt_hbm.at[pl.ds(wid * _PER_W, _PER_W)], ttw_v)
    pltpu.sync_copy(pos_hbm.at[pl.ds(0, _SEQ)], pt_v.at[pl.ds(0, _SEQ)])
    pltpu.sync_copy(pos_hbm.at[pl.ds(0, _SEQ)], pt_v.at[pl.ds(_SEQ, _SEQ)])
    pltpu.sync_copy(type_hbm, ty_v)
    pltpu.sync_copy(gam_hbm, gam_v)
    pltpu.sync_copy(bet_hbm, bet_v)

    def add_type(r, _):
        t = r // _SEQ
        for j in range(_NV):
            sl = pl.ds(j * 16, 16)
            pt_v[r, sl] = pt_v[r, sl] + ty_v[t, sl]
        return 0
    lax.fori_loop(0, 2 * _SEQ, add_type, 0)

    gvs = [gam_v[pl.ds(j * 16, 16)] for j in range(_NV)]
    bvs = [bet_v[pl.ds(j * 16, 16)] for j in range(_NV)]

    def idx_slice(c):
        return idsw_v.at[pl.ds(pl.multiple_of(c * _CHUNK, _CHUNK), _CHUNK)]

    pltpu.async_copy(word_hbm.at[idx_slice(0)], wrows_v.at[0], gsem.at[0])

    def chunk_body(c, _):
        p = c & 1
        np_ = 1 - p

        @pl.when(c + 1 < _NCHUNK)
        def _start_next():
            @pl.when(c >= 1)
            def _wait_out():
                pltpu.make_async_copy(
                    wrows_v.at[np_], out_hbm.at[pl.ds(0, _CHUNK)], osem.at[np_]
                ).wait()
            pltpu.async_copy(
                word_hbm.at[idx_slice(c + 1)], wrows_v.at[np_], gsem.at[np_])

        pltpu.make_async_copy(
            word_hbm.at[idx_slice(c)], wrows_v.at[p], gsem.at[p]).wait()

        base = wid * _PER_W + c * _CHUNK
        iota = lax.iota(jnp.int32, 16)

        m15 = lax.eq(iota, jnp.int32(15))
        cols = [jnp.int32(j * 16) + iota for j in range(_NV)]

        def fill_prow(g, _unused):
            tvec = ttw_v[pl.ds(c * _CHUNK + g * 16, 16)]
            lvec = lax.rem(base + g * 16 + iota, jnp.int32(_SEQ))
            prow_v[pl.ds(pl.multiple_of(g * 16, 16), 16)] = tvec * _SEQ + lvec
            return 0
        lax.fori_loop(0, _CHUNK // 16, fill_prow, 0)

        @plsc.parallel_loop(0, _CHUNK, step=1, unroll=4)
        def rpass(u):
            fu = jnp.full((16,), u, jnp.int32)
            pr16 = plsc.load_gather(prow_v, [fu])
            rsum = jnp.zeros((16,), jnp.float32)
            rsq = jnp.zeros((16,), jnp.float32)
            for j in range(_NV):
                x = wrows_v[p, u, pl.ds(j * 16, 16)] \
                    + plsc.load_gather(pt_v, [pr16, cols[j]])
                wrows_v[p, u, pl.ds(j * 16, 16)] = x
                rsum = rsum + x
                rsq = rsq + x * x
            cs = plsc.cumsum(rsum)
            cq = plsc.cumsum(rsq)
            plsc.store_scatter(sums_v, [fu], cs, mask=m15)
            plsc.store_scatter(sums_v, [fu + _CHUNK], cq, mask=m15)

        def stats_body(g, _unused):
            sl = pl.ds(pl.multiple_of(g * 16, 16), 16)
            s1 = sums_v[sl]
            s2 = sums_v[pl.ds(pl.multiple_of(_CHUNK + g * 16, 16), 16)]
            m_v = s1 * jnp.float32(1.0 / _HID)
            var_v = s2 * jnp.float32(1.0 / _HID) - m_v * m_v
            c1 = _rsqrt16(var_v + jnp.float32(_EPS))
            stats_v[sl] = c1
            stats_v[pl.ds(pl.multiple_of(_CHUNK + g * 16, 16), 16)] = m_v * c1
            return 0
        lax.fori_loop(0, _CHUNK // 16, stats_body, 0)

        @plsc.parallel_loop(0, _CHUNK, step=1, unroll=4)
        def norm(u):
            fu = jnp.full((16,), u, jnp.int32)
            c1u = plsc.load_gather(stats_v, [fu])
            c2u = plsc.load_gather(stats_v, [fu + _CHUNK])
            for j in range(_NV):
                x = wrows_v[p, u, pl.ds(j * 16, 16)]
                wrows_v[p, u, pl.ds(j * 16, 16)] = \
                    (x * c1u - c2u) * gvs[j] + bvs[j]

        pltpu.async_copy(wrows_v.at[p], out_hbm.at[pl.ds(base, _CHUNK)],
                         osem.at[p])
        return 0

    lax.fori_loop(0, _NCHUNK, chunk_body, 0)

    pltpu.make_async_copy(
        wrows_v.at[0], out_hbm.at[pl.ds(0, _CHUNK)], osem.at[0]).wait()
    pltpu.make_async_copy(
        wrows_v.at[1], out_hbm.at[pl.ds(0, _CHUNK)], osem.at[1]).wait()


def kernel(input_ids, token_type_ids, word_emb, pos_emb, type_emb, ln_gamma, ln_beta):
    ids = input_ids.reshape(-1).astype(jnp.int32)
    tt = token_type_ids.reshape(-1).astype(jnp.int32)
    mesh = plsc.VectorSubcoreMesh(core_axis_name="c", subcore_axis_name="s")
    k = pl.kernel(
        _tec_body,
        out_type=jax.ShapeDtypeStruct((_TOK, _HID), jnp.float32),
        mesh=mesh,
        scratch_types=[
            pltpu.VMEM((2 * _SEQ, _HID), jnp.float32),
            pltpu.VMEM((2, _HID), jnp.float32),
            pltpu.VMEM((2, _CHUNK, _HID), jnp.float32),
            pltpu.VMEM((_PER_W,), jnp.int32),
            pltpu.VMEM((_PER_W,), jnp.int32),
            pltpu.VMEM((_HID,), jnp.float32),
            pltpu.VMEM((_HID,), jnp.float32),
            pltpu.VMEM((2 * _CHUNK,), jnp.float32),
            pltpu.VMEM((_CHUNK,), jnp.int32),
            pltpu.VMEM((2 * _CHUNK,), jnp.float32),
            pltpu.SemaphoreType.DMA((2,)),
            pltpu.SemaphoreType.DMA((2,)),
        ],
        compiler_params=pltpu.CompilerParams(needs_layout_passes=False),
    )
    out = k(ids, tt, word_emb, pos_emb, type_emb, ln_gamma, ln_beta)
    return out.reshape(_BATCH, _SEQ, _HID)

# --- scband reference (transcript-rebuilt; emitter-appended) ---
"""Pipeline reference for scband-embeddings-55559696941561 (READ-ONLY COPY).

The authoritative reference and input builder live on the scoring server;
editing this copy changes nothing except your own understanding.
"""

import jax, jax.numpy as jnp
import numpy as np

VOCAB = 100000
HIDDEN = 128
MAX_POS = 512
TYPE_VOCAB = 2
B, L = 1024, 200
EPS = 1e-12

def setup_inputs(seed: int = 0) -> dict:
    key = jax.random.key(seed)
    k1, k2, k3, k4, k5 = jax.random.split(key, 5)
    input_ids = jax.random.randint(k1, (B, L), 0, VOCAB, dtype=jnp.int64 if jax.config.read('jax_enable_x64') else jnp.int32)
    token_type_ids = jax.random.randint(k2, (B, L), 0, TYPE_VOCAB, dtype=input_ids.dtype)
    word_emb = jax.random.normal(k3, (VOCAB, HIDDEN), dtype=jnp.float32) * 0.02
    pos_emb = jax.random.normal(k4, (MAX_POS, HIDDEN), dtype=jnp.float32) * 0.02
    type_emb = jax.random.normal(k5, (TYPE_VOCAB, HIDDEN), dtype=jnp.float32) * 0.02
    ln_gamma = jnp.ones((HIDDEN,), dtype=jnp.float32)
    ln_beta = jnp.zeros((HIDDEN,), dtype=jnp.float32)
    return {
        'input_ids': input_ids,
        'token_type_ids': token_type_ids,
        'word_emb': word_emb,
        'pos_emb': pos_emb,
        'type_emb': type_emb,
        'ln_gamma': ln_gamma,
        'ln_beta': ln_beta,
    }

def _layer_norm(x, gamma, beta, eps=EPS):
    mean = jnp.mean(x, axis=-1, keepdims=True)
    var = jnp.mean(jnp.square(x - mean), axis=-1, keepdims=True)
    xhat = (x - mean) / jnp.sqrt(var + eps)
    return xhat * gamma + beta

def reference(input_ids, token_type_ids, word_emb, pos_emb, type_emb, ln_gamma, ln_beta):
    seq_length = input_ids.shape[1]
    position_ids = jnp.arange(seq_length, dtype=input_ids.dtype)
    position_ids = jnp.broadcast_to(position_ids[None, :], input_ids.shape)
    word_embeddings = jnp.take(word_emb, input_ids, axis=0)
    position_embeddings = jnp.take(pos_emb, position_ids, axis=0)
    token_type_embeddings = jnp.take(type_emb, token_type_ids, axis=0)
    embeddings = word_embeddings + position_embeddings + token_type_embeddings
    embeddings = _layer_norm(embeddings, ln_gamma, ln_beta)
    # dropout is identity in eval mode
    return embeddings

if __name__ == "__main__":
    import jax
    _d = setup_inputs()
    print(jax.jit(kernel)(*tuple(_d.values())))

</pallas_src>

<mosaic_0001>
#map = affine_map<(d0, d1) -> (0)>
#map1 = affine_map<(d0, d1) -> (0, 0)>
module attributes {stable_mosaic.version = 14 : i64} {
  func.func @_tec_body(%arg0: i32, %arg1: i32, %arg2: memref<204800xi32, #tpu.memory_space<hbm>>, %arg3: memref<204800xi32, #tpu.memory_space<hbm>>, %arg4: memref<100000x128xf32, #tpu.memory_space<hbm>>, %arg5: memref<512x128xf32, #tpu.memory_space<hbm>>, %arg6: memref<2x128xf32, #tpu.memory_space<hbm>>, %arg7: memref<128xf32, #tpu.memory_space<hbm>>, %arg8: memref<128xf32, #tpu.memory_space<hbm>>, %arg9: memref<204800x128xf32, #tpu.memory_space<hbm>>, %arg10: memref<400x128xf32, #tpu.memory_space<vmem>>, %arg11: memref<2x128xf32, #tpu.memory_space<vmem>>, %arg12: memref<2x128x128xf32, #tpu.memory_space<vmem>>, %arg13: memref<6400xi32, #tpu.memory_space<vmem>>, %arg14: memref<6400xi32, #tpu.memory_space<vmem>>, %arg15: memref<128xf32, #tpu.memory_space<vmem>>, %arg16: memref<128xf32, #tpu.memory_space<vmem>>, %arg17: memref<256xf32, #tpu.memory_space<vmem>>, %arg18: memref<128xi32, #tpu.memory_space<vmem>>, %arg19: memref<256xf32, #tpu.memory_space<vmem>>, %arg20: memref<2x!tpu.dma_semaphore, #tpu.memory_space<semaphore_mem>>, %arg21: memref<2x!tpu.dma_semaphore, #tpu.memory_space<semaphore_mem>>) attributes {dimension_semantics = [#tpu.dimension_semantics<core_parallel>, #tpu.dimension_semantics<subcore_parallel>], iteration_bounds = array<i64: 2, 16>, scalar_prefetch = 0 : i64, scratch_operands = 12 : i64, tpu.core_type = #tpu.core_type<sc_vector_subcore>, window_params = [{transform_indices = #map}, {transform_indices = #map}, {transform_indices = #map1}, {transform_indices = #map1}, {transform_indices = #map1}, {transform_indices = #map}, {transform_indices = #map}, {transform_indices = #map1}]} {
    %mul3A = arith.constant 2 : i32
    %mul3A_0 = arith.muli %arg1, %mul3A : i32
    %add3A = arith.addi %mul3A_0, %arg0 : i32
    %mul3A_1 = arith.constant 6400 : i32
    %mul3A_2 = arith.muli %add3A, %mul3A_1 : i32
    "tpu.region"() ({
      %run_scoped3A = tpu.sem_alloc : memref<!tpu.dma_semaphore, #tpu.memory_space<semaphore_mem>>
      %dma_start3A_96 = tpu.memref_slice %arg2[%mul3A_2] : memref<204800xi32, #tpu.memory_space<hbm>> -> memref<6400xi32, #tpu.memory_space<hbm>>
      %dma_start3A_97 = tpu.memref_slice %arg2[%mul3A_2] : memref<204800xi32, #tpu.memory_space<hbm>> -> memref<6400xi32, #tpu.memory_space<hbm>>
      tpu.enqueue_dma source(%dma_start3A_97 : memref<6400xi32, #tpu.memory_space<hbm>>) target(%arg13 : memref<6400xi32, #tpu.memory_space<vmem>>) target_semaphore(%run_scoped3A : memref<!tpu.dma_semaphore, #tpu.memory_space<semaphore_mem>>)
      %dma_wait3A_98 = tpu.memref_slice %arg2[%mul3A_2] : memref<204800xi32, #tpu.memory_space<hbm>> -> memref<6400xi32, #tpu.memory_space<hbm>>
      %dma_wait3A_99 = tpu.memref_slice %arg2[%mul3A_2] : memref<204800xi32, #tpu.memory_space<hbm>> -> memref<6400xi32, #tpu.memory_space<hbm>>
      tpu.wait_dma2 semaphore(%run_scoped3A : memref<!tpu.dma_semaphore, #tpu.memory_space<semaphore_mem>>) src(%dma_wait3A_99 : memref<6400xi32, #tpu.memory_space<hbm>>) dst(%arg13 : memref<6400xi32, #tpu.memory_space<vmem>>)
      tpu.yield
    }) : () -> ()
    %mul3A_3 = arith.constant 6400 : i32
    %mul3A_4 = arith.muli %add3A, %mul3A_3 : i32
    "tpu.region"() ({
      %run_scoped3A = tpu.sem_alloc : memref<!tpu.dma_semaphore, #tpu.memory_space<semaphore_mem>>
      %dma_start3A_96 = tpu.memref_slice %arg3[%mul3A_4] : memref<204800xi32, #tpu.memory_space<hbm>> -> memref<6400xi32, #tpu.memory_space<hbm>>
      %dma_start3A_97 = tpu.memref_slice %arg3[%mul3A_4] : memref<204800xi32, #tpu.memory_space<hbm>> -> memref<6400xi32, #tpu.memory_space<hbm>>
      tpu.enqueue_dma source(%dma_start3A_97 : memref<6400xi32, #tpu.memory_space<hbm>>) target(%arg14 : memref<6400xi32, #tpu.memory_space<vmem>>) target_semaphore(%run_scoped3A : memref<!tpu.dma_semaphore, #tpu.memory_space<semaphore_mem>>)
      %dma_wait3A_98 = tpu.memref_slice %arg3[%mul3A_4] : memref<204800xi32, #tpu.memory_space<hbm>> -> memref<6400xi32, #tpu.memory_space<hbm>>
      %dma_wait3A_99 = tpu.memref_slice %arg3[%mul3A_4] : memref<204800xi32, #tpu.memory_space<hbm>> -> memref<6400xi32, #tpu.memory_space<hbm>>
      tpu.wait_dma2 semaphore(%run_scoped3A : memref<!tpu.dma_semaphore, #tpu.memory_space<semaphore_mem>>) src(%dma_wait3A_99 : memref<6400xi32, #tpu.memory_space<hbm>>) dst(%arg14 : memref<6400xi32, #tpu.memory_space<vmem>>)
      tpu.yield
    }) : () -> ()
    "tpu.region"() ({
      %run_scoped3A = tpu.sem_alloc : memref<!tpu.dma_semaphore, #tpu.memory_space<semaphore_mem>>
      %dma_start3A_96 = arith.constant 0 : i32
      %dma_start3A_97 = arith.constant 0 : i32
      %dma_start3A_98 = tpu.memref_slice %arg10[%dma_start3A_96, %dma_start3A_97] : memref<400x128xf32, #tpu.memory_space<vmem>> -> memref<200x128xf32, #tpu.memory_space<vmem>>
      %dma_start3A_99 = arith.constant 0 : i32
      %dma_start3A_100 = arith.constant 0 : i32
      %dma_start3A_101 = tpu.memref_slice %arg5[%dma_start3A_99, %dma_start3A_100] : memref<512x128xf32, #tpu.memory_space<hbm>> -> memref<200x128xf32, #tpu.memory_space<hbm>>
      %dma_start3A_102 = arith.constant 0 : i32
      %dma_start3A_103 = arith.constant 0 : i32
      %dma_start3A_104 = tpu.memref_slice %arg10[%dma_start3A_102, %dma_start3A_103] : memref<400x128xf32, #tpu.memory_space<vmem>> -> memref<200x128xf32, #tpu.memory_space<vmem>>
      %dma_start3A_105 = arith.constant 0 : i32
      %dma_start3A_106 = arith.constant 0 : i32
      %dma_start3A_107 = tpu.memref_slice %arg5[%dma_start3A_105, %dma_start3A_106] : memref<512x128xf32, #tpu.memory_space<hbm>> -> memref<200x128xf32, #tpu.memory_space<hbm>>
      tpu.enqueue_dma source(%dma_start3A_107 : memref<200x128xf32, #tpu.memory_space<hbm>>) target(%dma_start3A_104 : memref<200x128xf32, #tpu.memory_space<vmem>>) target_semaphore(%run_scoped3A : memref<!tpu.dma_semaphore, #tpu.memory_space<semaphore_mem>>)
      %dma_wait3A_108 = arith.constant 0 : i32
      %dma_wait3A_109 = arith.constant 0 : i32
      %dma_wait3A_110 = tpu.memref_slice %arg10[%dma_wait3A_108, %dma_wait3A_109] : memref<400x128xf32, #tpu.memory_space<vmem>> -> memref<200x128xf32, #tpu.memory_space<vmem>>
      %dma_wait3A_111 = arith.constant 0 : i32
      %dma_wait3A_112 = arith.constant 0 : i32
      %dma_wait3A_113 = tpu.memref_slice %arg5[%dma_wait3A_111, %dma_wait3A_112] : memref<512x128xf32, #tpu.memory_space<hbm>> -> memref<200x128xf32, #tpu.memory_space<hbm>>
      %dma_wait3A_114 = arith.constant 0 : i32
      %dma_wait3A_115 = arith.constant 0 : i32
      %dma_wait3A_116 = tpu.memref_slice %arg10[%dma_wait3A_114, %dma_wait3A_115] : memref<400x128xf32, #tpu.memory_space<vmem>> -> memref<200x128xf32, #tpu.memory_space<vmem>>
      %dma_wait3A_117 = arith.constant 0 : i32
      %dma_wait3A_118 = arith.constant 0 : i32
      %dma_wait3A_119 = tpu.memref_slice %arg5[%dma_wait3A_117, %dma_wait3A_118] : memref<512x128xf32, #tpu.memory_space<hbm>> -> memref<200x128xf32, #tpu.memory_space<hbm>>
      tpu.wait_dma2 semaphore(%run_scoped3A : memref<!tpu.dma_semaphore, #tpu.memory_space<semaphore_mem>>) src(%dma_wait3A_119 : memref<200x128xf32, #tpu.memory_space<hbm>>) dst(%dma_wait3A_116 : memref<200x128xf32, #tpu.memory_space<vmem>>)
      tpu.yield
    }) : () -> ()
    "tpu.region"() ({
      %run_scoped3A = tpu.sem_alloc : memref<!tpu.dma_semaphore, #tpu.memory_space<semaphore_mem>>
      %dma_start3A_96 = arith.constant 200 : i32
      %dma_start3A_97 = arith.constant 0 : i32
      %dma_start3A_98 = tpu.memref_slice %arg10[%dma_start3A_96, %dma_start3A_97] : memref<400x128xf32, #tpu.memory_space<vmem>> -> memref<200x128xf32, #tpu.memory_space<vmem>>
      %dma_start3A_99 = arith.constant 0 : i32
      %dma_start3A_100 = arith.constant 0 : i32
      %dma_start3A_101 = tpu.memref_slice %arg5[%dma_start3A_99, %dma_start3A_100] : memref<512x128xf32, #tpu.memory_space<hbm>> -> memref<200x128xf32, #tpu.memory_space<hbm>>
      %dma_start3A_102 = arith.constant 200 : i32
      %dma_start3A_103 = arith.constant 0 : i32
      %dma_start3A_104 = tpu.memref_slice %arg10[%dma_start3A_102, %dma_start3A_103] : memref<400x128xf32, #tpu.memory_space<vmem>> -> memref<200x128xf32, #tpu.memory_space<vmem>>
      %dma_start3A_105 = arith.constant 0 : i32
      %dma_start3A_106 = arith.constant 0 : i32
      %dma_start3A_107 = tpu.memref_slice %arg5[%dma_start3A_105, %dma_start3A_106] : memref<512x128xf32, #tpu.memory_space<hbm>> -> memref<200x128xf32, #tpu.memory_space<hbm>>
      tpu.enqueue_dma source(%dma_start3A_107 : memref<200x128xf32, #tpu.memory_space<hbm>>) target(%dma_start3A_104 : memref<200x128xf32, #tpu.memory_space<vmem>>) target_semaphore(%run_scoped3A : memref<!tpu.dma_semaphore, #tpu.memory_space<semaphore_mem>>)
      %dma_wait3A_108 = arith.constant 200 : i32
      %dma_wait3A_109 = arith.constant 0 : i32
      %dma_wait3A_110 = tpu.memref_slice %arg10[%dma_wait3A_108, %dma_wait3A_109] : memref<400x128xf32, #tpu.memory_space<vmem>> -> memref<200x128xf32, #tpu.memory_space<vmem>>
      %dma_wait3A_111 = arith.constant 0 : i32
      %dma_wait3A_112 = arith.constant 0 : i32
      %dma_wait3A_113 = tpu.memref_slice %arg5[%dma_wait3A_111, %dma_wait3A_112] : memref<512x128xf32, #tpu.memory_space<hbm>> -> memref<200x128xf32, #tpu.memory_space<hbm>>
      %dma_wait3A_114 = arith.constant 200 : i32
      %dma_wait3A_115 = arith.constant 0 : i32
      %dma_wait3A_116 = tpu.memref_slice %arg10[%dma_wait3A_114, %dma_wait3A_115] : memref<400x128xf32, #tpu.memory_space<vmem>> -> memref<200x128xf32, #tpu.memory_space<vmem>>
      %dma_wait3A_117 = arith.constant 0 : i32
      %dma_wait3A_118 = arith.constant 0 : i32
      %dma_wait3A_119 = tpu.memref_slice %arg5[%dma_wait3A_117, %dma_wait3A_118] : memref<512x128xf32, #tpu.memory_space<hbm>> -> memref<200x128xf32, #tpu.memory_space<hbm>>
      tpu.wait_dma2 semaphore(%run_scoped3A : memref<!tpu.dma_semaphore, #tpu.memory_space<semaphore_mem>>) src(%dma_wait3A_119 : memref<200x128xf32, #tpu.memory_space<hbm>>) dst(%dma_wait3A_116 : memref<200x128xf32, #tpu.memory_space<vmem>>)
      tpu.yield
    }) : () -> ()
    "tpu.region"() ({
      %run_scoped3A = tpu.sem_alloc : memref<!tpu.dma_semaphore, #tpu.memory_space<semaphore_mem>>
      tpu.enqueue_dma source(%arg6 : memref<2x128xf32, #tpu.memory_space<hbm>>) target(%arg11 : memref<2x128xf32, #tpu.memory_space<vmem>>) target_semaphore(%run_scoped3A : memref<!tpu.dma_semaphore, #tpu.memory_space<semaphore_mem>>)
      tpu.wait_dma2 semaphore(%run_scoped3A : memref<!tpu.dma_semaphore, #tpu.memory_space<semaphore_mem>>) src(%arg6 : memref<2x128xf32, #tpu.memory_space<hbm>>) dst(%arg11 : memref<2x128xf32, #tpu.memory_space<vmem>>)
      tpu.yield
    }) : () -> ()
    "tpu.region"() ({
      %run_scoped3A = tpu.sem_alloc : memref<!tpu.dma_semaphore, #tpu.memory_space<semaphore_mem>>
      tpu.enqueue_dma source(%arg7 : memref<128xf32, #tpu.memory_space<hbm>>) target(%arg15 : memref<128xf32, #tpu.memory_space<vmem>>) target_semaphore(%run_scoped3A : memref<!tpu.dma_semaphore, #tpu.memory_space<semaphore_mem>>)
      tpu.wait_dma2 semaphore(%run_scoped3A : memref<!tpu.dma_semaphore, #tpu.memory_space<semaphore_mem>>) src(%arg7 : memref<128xf32, #tpu.memory_space<hbm>>) dst(%arg15 : memref<128xf32, #tpu.memory_space<vmem>>)
      tpu.yield
    }) : () -> ()
    "tpu.region"() ({
      %run_scoped3A = tpu.sem_alloc : memref<!tpu.dma_semaphore, #tpu.memory_space<semaphore_mem>>
      tpu.enqueue_dma source(%arg8 : memref<128xf32, #tpu.memory_space<hbm>>) target(%arg16 : memref<128xf32, #tpu.memory_space<vmem>>) target_semaphore(%run_scoped3A : memref<!tpu.dma_semaphore, #tpu.memory_space<semaphore_mem>>)
      tpu.wait_dma2 semaphore(%run_scoped3A : memref<!tpu.dma_semaphore, #tpu.memory_space<semaphore_mem>>) src(%arg8 : memref<128xf32, #tpu.memory_space<hbm>>) dst(%arg16 : memref<128xf32, #tpu.memory_space<vmem>>)
      tpu.yield
    }) : () -> ()
    %scan3A = arith.constant 0 : i32
    %scan3A_5 = arith.constant 0 : i32
    %scan3A_6 = arith.constant 400 : i32
    %scan3A_7 = arith.addi %scan3A_5, %scan3A_6 : i32
    %scan3A_8 = arith.constant 1 : i32
    %scan3A_9 = scf.for %scan3A_96 = %scan3A_5 to %scan3A_7 step %scan3A_8 iter_args(%scan3A_97 = %scan3A) -> (i32)  : i32 {
      %jit3A = arith.constant 200 : i32
      %div3A = arith.divsi %scan3A_96, %jit3A : i32
      %sign3A = arith.constant 0 : i32
      %sign3A_98 = arith.cmpi sgt, %scan3A_96, %sign3A : i32
      %sign3A_99 = arith.extui %sign3A_98 : i1 to i32
      %sign3A_100 = arith.constant 0 : i32
      %sign3A_101 = arith.cmpi slt, %scan3A_96, %sign3A_100 : i32
      %sign3A_102 = arith.extui %sign3A_101 : i1 to i32
      %sign3A_103 = arith.subi %sign3A_99, %sign3A_102 : i32
      %sign3A_104 = arith.constant 0 : i32
      %sign3A_105 = arith.cmpi sgt, %jit3A, %sign3A_104 : i32
      %sign3A_106 = arith.extui %sign3A_105 : i1 to i32
      %sign3A_107 = arith.constant 0 : i32
      %sign3A_108 = arith.cmpi slt, %jit3A, %sign3A_107 : i32
      %sign3A_109 = arith.extui %sign3A_108 : i1 to i32
      %sign3A_110 = arith.subi %sign3A_106, %sign3A_109 : i32
      %ne3A = arith.cmpi ne, %sign3A_103, %sign3A_110 : i32
      %rem3A = arith.remsi %scan3A_96, %jit3A : i32
      %ne3A_111 = arith.constant 0 : i32
      %ne3A_112 = arith.cmpi ne, %rem3A, %ne3A_111 : i32
      %and3A = arith.andi %ne3A, %ne3A_112 : i1
      %sub3A = arith.constant 1 : i32
      %sub3A_113 = arith.subi %div3A, %sub3A : i32
      %select_n3A = arith.select %and3A, %sub3A_113, %div3A : i32
      %get3A_114 = arith.index_cast %scan3A_96 : i32 to index
      %get3A_115 = arith.constant 0 : index
      %get3A_116 = tpu.vector_load %arg10[%get3A_114, %get3A_115] {strides = array<i32>} : memref<400x128xf32, #tpu.memory_space<vmem>>, vector<16xf32>,
      %get3A_117 = arith.index_cast %select_n3A : i32 to index
      %get3A_118 = arith.constant 0 : index
      %get3A_119 = tpu.vector_load %arg11[%get3A_117, %get3A_118] {strides = array<i32>} : memref<2x128xf32, #tpu.memory_space<vmem>>, vector<16xf32>,
      %add3A_120 = arith.addf %get3A_116, %get3A_119 : vector<16xf32>
      %swap3A = arith.index_cast %scan3A_96 : i32 to index
      %swap3A_121 = arith.constant 0 : index
      %swap3A_122 = tpu.vector_load %arg10[%swap3A, %swap3A_121] {strides = array<i32>} : memref<400x128xf32, #tpu.memory_space<vmem>>, vector<16xf32>,
      tpu.vector_store %arg10[%swap3A, %swap3A_121], %add3A_120 {strides = array<i32>} : memref<400x128xf32, #tpu.memory_space<vmem>>, vector<16xf32>,
      %get3A_123 = arith.index_cast %scan3A_96 : i32 to index
      %get3A_124 = arith.constant 16 : index
      %get3A_125 = tpu.vector_load %arg10[%get3A_123, %get3A_124] {strides = array<i32>} : memref<400x128xf32, #tpu.memory_space<vmem>>, vector<16xf32>,
      %get3A_126 = arith.index_cast %select_n3A : i32 to index
      %get3A_127 = arith.constant 16 : index
      %get3A_128 = tpu.vector_load %arg11[%get3A_126, %get3A_127] {strides = array<i32>} : memref<2x128xf32, #tpu.memory_space<vmem>>, vector<16xf32>,
      %add3A_129 = arith.addf %get3A_125, %get3A_128 : vector<16xf32>
      %swap3A_130 = arith.index_cast %scan3A_96 : i32 to index
      %swap3A_131 = arith.constant 16 : index
      %swap3A_132 = tpu.vector_load %arg10[%swap3A_130, %swap3A_131] {strides = array<i32>} : memref<400x128xf32, #tpu.memory_space<vmem>>, vector<16xf32>,
      tpu.vector_store %arg10[%swap3A_130, %swap3A_131], %add3A_129 {strides = array<i32>} : memref<400x128xf32, #tpu.memory_space<vmem>>, vector<16xf32>,
      %get3A_133 = arith.index_cast %scan3A_96 : i32 to index
      %get3A_134 = arith.constant 32 : index
      %get3A_135 = tpu.vector_load %arg10[%get3A_133, %get3A_134] {strides = array<i32>} : memref<400x128xf32, #tpu.memory_space<vmem>>, vector<16xf32>,
      %get3A_136 = arith.index_cast %select_n3A : i32 to index
      %get3A_137 = arith.constant 32 : index
      %get3A_138 = tpu.vector_load %arg11[%get3A_136, %get3A_137] {strides = array<i32>} : memref<2x128xf32, #tpu.memory_space<vmem>>, vector<16xf32>,
      %add3A_139 = arith.addf %get3A_135, %get3A_138 : vector<16xf32>
      %swap3A_140 = arith.index_cast %scan3A_96 : i32 to index
      %swap3A_141 = arith.constant 32 : index
      %swap3A_142 = tpu.vector_load %arg10[%swap3A_140, %swap3A_141] {strides = array<i32>} : memref<400x128xf32, #tpu.memory_space<vmem>>, vector<16xf32>,
      tpu.vector_store %arg10[%swap3A_140, %swap3A_141], %add3A_139 {strides = array<i32>} : memref<400x128xf32, #tpu.memory_space<vmem>>, vector<16xf32>,
      %get3A_143 = arith.index_cast %scan3A_96 : i32 to index
      %get3A_144 = arith.constant 48 : index
      %get3A_145 = tpu.vector_load %arg10[%get3A_143, %get3A_144] {strides = array<i32>} : memref<400x128xf32, #tpu.memory_space<vmem>>, vector<16xf32>,
      %get3A_146 = arith.index_cast %select_n3A : i32 to index
      %get3A_147 = arith.constant 48 : index
      %get3A_148 = tpu.vector_load %arg11[%get3A_146, %get3A_147] {strides = array<i32>} : memref<2x128xf32, #tpu.memory_space<vmem>>, vector<16xf32>,
      %add3A_149 = arith.addf %get3A_145, %get3A_148 : vector<16xf32>
      %swap3A_150 = arith.index_cast %scan3A_96 : i32 to index
      %swap3A_151 = arith.constant 48 : index
      %swap3A_152 = tpu.vector_load %arg10[%swap3A_150, %swap3A_151] {strides = array<i32>} : memref<400x128xf32, #tpu.memory_space<vmem>>, vector<16xf32>,
      tpu.vector_store %arg10[%swap3A_150, %swap3A_151], %add3A_149 {strides = array<i32>} : memref<400x128xf32, #tpu.memory_space<vmem>>, vector<16xf32>,
      %get3A_153 = arith.index_cast %scan3A_96 : i32 to index
      %get3A_154 = arith.constant 64 : index
      %get3A_155 = tpu.vector_load %arg10[%get3A_153, %get3A_154] {strides = array<i32>} : memref<400x128xf32, #tpu.memory_space<vmem>>, vector<16xf32>,
      %get3A_156 = arith.index_cast %select_n3A : i32 to index
      %get3A_157 = arith.constant 64 : index
      %get3A_158 = tpu.vector_load %arg11[%get3A_156, %get3A_157] {strides = array<i32>} : memref<2x128xf32, #tpu.memory_space<vmem>>, vector<16xf32>,
      %add3A_159 = arith.addf %get3A_155, %get3A_158 : vector<16xf32>
      %swap3A_160 = arith.index_cast %scan3A_96 : i32 to index
      %swap3A_161 = arith.constant 64 : index
      %swap3A_162 = tpu.vector_load %arg10[%swap3A_160, %swap3A_161] {strides = array<i32>} : memref<400x128xf32, #tpu.memory_space<vmem>>, vector<16xf32>,
      tpu.vector_store %arg10[%swap3A_160, %swap3A_161], %add3A_159 {strides = array<i32>} : memref<400x128xf32, #tpu.memory_space<vmem>>, vector<16xf32>,
      %get3A_163 = arith.index_cast %scan3A_96 : i32 to index
      %get3A_164 = arith.constant 80 : index
      %get3A_165 = tpu.vector_load %arg10[%get3A_163, %get3A_164] {strides = array<i32>} : memref<400x128xf32, #tpu.memory_space<vmem>>, vector<16xf32>,
      %get3A_166 = arith.index_cast %select_n3A : i32 to index
      %get3A_167 = arith.constant 80 : index
      %get3A_168 = tpu.vector_load %arg11[%get3A_166, %get3A_167] {strides = array<i32>} : memref<2x128xf32, #tpu.memory_space<vmem>>, vector<16xf32>,
      %add3A_169 = arith.addf %get3A_165, %get3A_168 : vector<16xf32>
      %swap3A_170 = arith.index_cast %scan3A_96 : i32 to index
      %swap3A_171 = arith.constant 80 : index
      %swap3A_172 = tpu.vector_load %arg10[%swap3A_170, %swap3A_171] {strides = array<i32>} : memref<400x128xf32, #tpu.memory_space<vmem>>, vector<16xf32>,
      tpu.vector_store %arg10[%swap3A_170, %swap3A_171], %add3A_169 {strides = array<i32>} : memref<400x128xf32, #tpu.memory_space<vmem>>, vector<16xf32>,
      %get3A_173 = arith.index_cast %scan3A_96 : i32 to index
      %get3A_174 = arith.constant 96 : index
      %get3A_175 = tpu.vector_load %arg10[%get3A_173, %get3A_174] {strides = array<i32>} : memref<400x128xf32, #tpu.memory_space<vmem>>, vector<16xf32>,
      %get3A_176 = arith.index_cast %select_n3A : i32 to index
      %get3A_177 = arith.constant 96 : index
      %get3A_178 = tpu.vector_load %arg11[%get3A_176, %get3A_177] {strides = array<i32>} : memref<2x128xf32, #tpu.memory_space<vmem>>, vector<16xf32>,
      %add3A_179 = arith.addf %get3A_175, %get3A_178 : vector<16xf32>
      %swap3A_180 = arith.index_cast %scan3A_96 : i32 to index
      %swap3A_181 = arith.constant 96 : index
      %swap3A_182 = tpu.vector_load %arg10[%swap3A_180, %swap3A_181] {strides = array<i32>} : memref<400x128xf32, #tpu.memory_space<vmem>>, vector<16xf32>,
      tpu.vector_store %arg10[%swap3A_180, %swap3A_181], %add3A_179 {strides = array<i32>} : memref<400x128xf32, #tpu.memory_space<vmem>>, vector<16xf32>,
      %get3A_183 = arith.index_cast %scan3A_96 : i32 to index
      %get3A_184 = arith.constant 112 : index
      %get3A_185 = tpu.vector_load %arg10[%get3A_183, %get3A_184] {strides = array<i32>} : memref<400x128xf32, #tpu.memory_space<vmem>>, vector<16xf32>,
      %get3A_186 = arith.index_cast %select_n3A : i32 to index
      %get3A_187 = arith.constant 112 : index
      %get3A_188 = tpu.vector_load %arg11[%get3A_186, %get3A_187] {strides = array<i32>} : memref<2x128xf32, #tpu.memory_space<vmem>>, vector<16xf32>,
      %add3A_189 = arith.addf %get3A_185, %get3A_188 : vector<16xf32>
      %swap3A_190 = arith.index_cast %scan3A_96 : i32 to index
      %swap3A_191 = arith.constant 112 : index
      %swap3A_192 = tpu.vector_load %arg10[%swap3A_190, %swap3A_191] {strides = array<i32>} : memref<400x128xf32, #tpu.memory_space<vmem>>, vector<16xf32>,
      tpu.vector_store %arg10[%swap3A_190, %swap3A_191], %add3A_189 {strides = array<i32>} : memref<400x128xf32, #tpu.memory_space<vmem>>, vector<16xf32>,
      %scan3A_193 = arith.constant 0 : i32
      scf.yield %scan3A_193 : i32
    }
    %scan3A_10 = arith.constant 400 : i32
    %get3A = arith.constant 0 : index
    %get3A_11 = tpu.vector_load %arg15[%get3A] {strides = array<i32>} : memref<128xf32, #tpu.memory_space<vmem>>, vector<16xf32>,
    %get3A_12 = arith.constant 16 : index
    %get3A_13 = tpu.vector_load %arg15[%get3A_12] {strides = array<i32>} : memref<128xf32, #tpu.memory_space<vmem>>, vector<16xf32>,
    %get3A_14 = arith.constant 32 : index
    %get3A_15 = tpu.vector_load %arg15[%get3A_14] {strides = array<i32>} : memref<128xf32, #tpu.memory_space<vmem>>, vector<16xf32>,
    %get3A_16 = arith.constant 48 : index
    %get3A_17 = tpu.vector_load %arg15[%get3A_16] {strides = array<i32>} : memref<128xf32, #tpu.memory_space<vmem>>, vector<16xf32>,
    %get3A_18 = arith.constant 64 : index
    %get3A_19 = tpu.vector_load %arg15[%get3A_18] {strides = array<i32>} : memref<128xf32, #tpu.memory_space<vmem>>, vector<16xf32>,
    %get3A_20 = arith.constant 80 : index
    %get3A_21 = tpu.vector_load %arg15[%get3A_20] {strides = array<i32>} : memref<128xf32, #tpu.memory_space<vmem>>, vector<16xf32>,
    %get3A_22 = arith.constant 96 : index
    %get3A_23 = tpu.vector_load %arg15[%get3A_22] {strides = array<i32>} : memref<128xf32, #tpu.memory_space<vmem>>, vector<16xf32>,
    %get3A_24 = arith.constant 112 : index
    %get3A_25 = tpu.vector_load %arg15[%get3A_24] {strides = array<i32>} : memref<128xf32, #tpu.memory_space<vmem>>, vector<16xf32>,
    %get3A_26 = arith.constant 0 : index
    %get3A_27 = tpu.vector_load %arg16[%get3A_26] {strides = array<i32>} : memref<128xf32, #tpu.memory_space<vmem>>, vector<16xf32>,
    %get3A_28 = arith.constant 16 : index
    %get3A_29 = tpu.vector_load %arg16[%get3A_28] {strides = array<i32>} : memref<128xf32, #tpu.memory_space<vmem>>, vector<16xf32>,
    %get3A_30 = arith.constant 32 : index
    %get3A_31 = tpu.vector_load %arg16[%get3A_30] {strides = array<i32>} : memref<128xf32, #tpu.memory_space<vmem>>, vector<16xf32>,
    %get3A_32 = arith.constant 48 : index
    %get3A_33 = tpu.vector_load %arg16[%get3A_32] {strides = array<i32>} : memref<128xf32, #tpu.memory_space<vmem>>, vector<16xf32>,
    %get3A_34 = arith.constant 64 : index
    %get3A_35 = tpu.vector_load %arg16[%get3A_34] {strides = array<i32>} : memref<128xf32, #tpu.memory_space<vmem>>, vector<16xf32>,
    %get3A_36 = arith.constant 80 : index
    %get3A_37 = tpu.vector_load %arg16[%get3A_36] {strides = array<i32>} : memref<128xf32, #tpu.memory_space<vmem>>, vector<16xf32>,
    %get3A_38 = arith.constant 96 : index
    %get3A_39 = tpu.vector_load %arg16[%get3A_38] {strides = array<i32>} : memref<128xf32, #tpu.memory_space<vmem>>, vector<16xf32>,
    %get3A_40 = arith.constant 112 : index
    %get3A_41 = tpu.vector_load %arg16[%get3A_40] {strides = array<i32>} : memref<128xf32, #tpu.memory_space<vmem>>, vector<16xf32>,
    %multiple_of3A = arith.constant 0 : i32
    %multiple_of3A_42 = tpu.assume_multiple %multiple_of3A, 128 : i32
    %dma_start3A = arith.constant 0 : i32
    %dma_start3A_43 = arith.constant 0 : i32
    %dma_start3A_44 = arith.constant 0 : i32
    %dma_start3A_45 = arith.constant 0 : i32
    %dma_start3A_46 = tpu.memref_slice %arg12[%dma_start3A, %dma_start3A_44, %dma_start3A_45] : memref<2x128x128xf32, #tpu.memory_space<vmem>> -> memref<1x128x128xf32, #tpu.memory_space<vmem>>
    %dma_start3A_47 = tpu.memref_squeeze %dma_start3A_46 : memref<1x128x128xf32, #tpu.memory_space<vmem>> -> memref<128x128xf32, #tpu.memory_space<vmem>>
    %dma_start3A_48 = tpu.memref_slice %arg13[%multiple_of3A_42] : memref<6400xi32, #tpu.memory_space<vmem>> -> memref<128xi32, #tpu.memory_space<vmem>>
    %dma_start3A_49 = arith.constant 0 : i32
    %dma_start3A_50 = arith.constant 0 : i32
    %dma_start3A_51 = tpu.memref_slice %arg4[%dma_start3A_49, %dma_start3A_50] : memref<100000x128xf32, #tpu.memory_space<hbm>> -> memref<100000x128xf32, #tpu.memory_space<hbm>>
    %dma_start3A_52 = tpu.memref_slice %arg20[%dma_start3A_43] : memref<2x!tpu.dma_semaphore, #tpu.memory_space<semaphore_mem>> -> memref<1x!tpu.dma_semaphore, #tpu.memory_space<semaphore_mem>>
    %dma_start3A_53 = tpu.memref_squeeze %dma_start3A_52 : memref<1x!tpu.dma_semaphore, #tpu.memory_space<semaphore_mem>> -> memref<!tpu.dma_semaphore, #tpu.memory_space<semaphore_mem>>
    tpu.enqueue_indirect_dma source(%dma_start3A_51 : memref<100000x128xf32, #tpu.memory_space<hbm>>) target(%dma_start3A_47 : memref<128x128xf32, #tpu.memory_space<vmem>>) offsets(%dma_start3A_48 : memref<128xi32, #tpu.memory_space<vmem>>) semaphore(%dma_start3A_53 : memref<!tpu.dma_semaphore, #tpu.memory_space<semaphore_mem>>)
    %scan3A_54 = arith.constant 0 : i32
    %scan3A_55 = arith.constant 0 : i32
    %scan3A_56 = arith.constant 50 : i32
    %scan3A_57 = arith.addi %scan3A_55, %scan3A_56 : i32
    %scan3A_58 = arith.constant 1 : i32
    %scan3A_59 = scf.for %scan3A_96 = %scan3A_55 to %scan3A_57 step %scan3A_58 iter_args(%scan3A_97 = %scan3A_54) -> (i32)  : i32 {
      %and3A = arith.constant 1 : i32
      %and3A_98 = arith.andi %scan3A_96, %and3A : i32
      %sub3A = arith.constant 1 : i32
      %sub3A_99 = arith.subi %sub3A, %and3A_98 : i32
      %add3A_100 = arith.constant 1 : i32
      %add3A_101 = arith.addi %scan3A_96, %add3A_100 : i32
      %lt3A = arith.constant 50 : i32
      %lt3A_102 = arith.cmpi slt, %add3A_101, %lt3A : i32
      %convert_element_type3A = arith.extui %lt3A_102 : i1 to i32
      %cond3A = arith.constant 0 : i32
      %cond3A_103 = arith.cmpi ne, %convert_element_type3A, %cond3A : i32
      scf.if %cond3A_103 {
        %ge3A = arith.constant 1 : i32
        %ge3A_182 = arith.cmpi sge, %scan3A_96, %ge3A : i32
        %convert_element_type3A_183 = arith.extui %ge3A_182 : i1 to i32
        %cond3A_184 = arith.constant 0 : i32
        %cond3A_185 = arith.cmpi ne, %convert_element_type3A_183, %cond3A_184 : i32
        scf.if %cond3A_185 {
          %dma_wait3A_201 = arith.constant 0 : i32
          %dma_wait3A_202 = arith.constant 0 : i32
          %dma_wait3A_203 = tpu.memref_slice %arg12[%sub3A_99, %dma_wait3A_201, %dma_wait3A_202] : memref<2x128x128xf32, #tpu.memory_space<vmem>> -> memref<1x128x128xf32, #tpu.memory_space<vmem>>
          %dma_wait3A_204 = tpu.memref_squeeze %dma_wait3A_203 : memref<1x128x128xf32, #tpu.memory_space<vmem>> -> memref<128x128xf32, #tpu.memory_space<vmem>>
          %dma_wait3A_205 = arith.constant 0 : i32
          %dma_wait3A_206 = arith.constant 0 : i32
          %dma_wait3A_207 = tpu.memref_slice %arg9[%dma_wait3A_205, %dma_wait3A_206] : memref<204800x128xf32, #tpu.memory_space<hbm>> -> memref<128x128xf32, #tpu.memory_space<hbm>>
          %dma_wait3A_208 = tpu.memref_slice %arg21[%sub3A_99] : memref<2x!tpu.dma_semaphore, #tpu.memory_space<semaphore_mem>> -> memref<1x!tpu.dma_semaphore, #tpu.memory_space<semaphore_mem>>
          %dma_wait3A_209 = tpu.memref_squeeze %dma_wait3A_208 : memref<1x!tpu.dma_semaphore, #tpu.memory_space<semaphore_mem>> -> memref<!tpu.dma_semaphore, #tpu.memory_space<semaphore_mem>>
          %dma_wait3A_210 = arith.constant 0 : i32
          %dma_wait3A_211 = arith.constant 0 : i32
          %dma_wait3A_212 = tpu.memref_slice %arg9[%dma_wait3A_210, %dma_wait3A_211] : memref<204800x128xf32, #tpu.memory_space<hbm>> -> memref<128x128xf32, #tpu.memory_space<hbm>>
          %dma_wait3A_213 = arith.constant 0 : i32
          %dma_wait3A_214 = arith.constant 0 : i32
          %dma_wait3A_215 = tpu.memref_slice %arg12[%sub3A_99, %dma_wait3A_213, %dma_wait3A_214] : memref<2x128x128xf32, #tpu.memory_space<vmem>> -> memref<1x128x128xf32, #tpu.memory_space<vmem>>
          %dma_wait3A_216 = tpu.memref_squeeze %dma_wait3A_215 : memref<1x128x128xf32, #tpu.memory_space<vmem>> -> memref<128x128xf32, #tpu.memory_space<vmem>>
          tpu.wait_dma2 semaphore(%dma_wait3A_209 : memref<!tpu.dma_semaphore, #tpu.memory_space<semaphore_mem>>) src(%dma_wait3A_216 : memref<128x128xf32, #tpu.memory_space<vmem>>) dst(%dma_wait3A_212 : memref<128x128xf32, #tpu.memory_space<hbm>>)
        } else {
        }
        %add3A_186 = arith.constant 1 : i32
        %add3A_187 = arith.addi %scan3A_96, %add3A_186 : i32
        %mul3A_188 = arith.constant 128 : i32
        %mul3A_189 = arith.muli %add3A_187, %mul3A_188 : i32
        %multiple_of3A_190 = tpu.assume_multiple %mul3A_189, 128 : i32
        %dma_start3A_191 = arith.constant 0 : i32
        %dma_start3A_192 = arith.constant 0 : i32
        %dma_start3A_193 = tpu.memref_slice %arg12[%sub3A_99, %dma_start3A_191, %dma_start3A_192] : memref<2x128x128xf32, #tpu.memory_space<vmem>> -> memref<1x128x128xf32, #tpu.memory_space<vmem>>
        %dma_start3A_194 = tpu.memref_squeeze %dma_start3A_193 : memref<1x128x128xf32, #tpu.memory_space<vmem>> -> memref<128x128xf32, #tpu.memory_space<vmem>>
        %dma_start3A_195 = tpu.memref_slice %arg13[%multiple_of3A_190] : memref<6400xi32, #tpu.memory_space<vmem>> -> memref<128xi32, #tpu.memory_space<vmem>>
        %dma_start3A_196 = arith.constant 0 : i32
        %dma_start3A_197 = arith.constant 0 : i32
        %dma_start3A_198 = tpu.memref_slice %arg4[%dma_start3A_196, %dma_start3A_197] : memref<100000x128xf32, #tpu.memory_space<hbm>> -> memref<100000x128xf32, #tpu.memory_space<hbm>>
        %dma_start3A_199 = tpu.memref_slice %arg20[%sub3A_99] : memref<2x!tpu.dma_semaphore, #tpu.memory_space<semaphore_mem>> -> memref<1x!tpu.dma_semaphore, #tpu.memory_space<semaphore_mem>>
        %dma_start3A_200 = tpu.memref_squeeze %dma_start3A_199 : memref<1x!tpu.dma_semaphore, #tpu.memory_space<semaphore_mem>> -> memref<!tpu.dma_semaphore, #tpu.memory_space<semaphore_mem>>
        tpu.enqueue_indirect_dma source(%dma_start3A_198 : memref<100000x128xf32, #tpu.memory_space<hbm>>) target(%dma_start3A_194 : memref<128x128xf32, #tpu.memory_space<vmem>>) offsets(%dma_start3A_195 : memref<128xi32, #tpu.memory_space<vmem>>) semaphore(%dma_start3A_200 : memref<!tpu.dma_semaphore, #tpu.memory_space<semaphore_mem>>)
      } else {
      }
      %mul3A_104 = arith.constant 128 : i32
      %mul3A_105 = arith.muli %scan3A_96, %mul3A_104 : i32
      %multiple_of3A_106 = tpu.assume_multiple %mul3A_105, 128 : i32
      %dma_wait3A_107 = arith.constant 0 : i32
      %dma_wait3A_108 = arith.constant 0 : i32
      %dma_wait3A_109 = tpu.memref_slice %arg12[%and3A_98, %dma_wait3A_107, %dma_wait3A_108] : memref<2x128x128xf32, #tpu.memory_space<vmem>> -> memref<1x128x128xf32, #tpu.memory_space<vmem>>
      %dma_wait3A_110 = tpu.memref_squeeze %dma_wait3A_109 : memref<1x128x128xf32, #tpu.memory_space<vmem>> -> memref<128x128xf32, #tpu.memory_space<vmem>>
      %dma_wait3A_111 = tpu.memref_slice %arg13[%multiple_of3A_106] : memref<6400xi32, #tpu.memory_space<vmem>> -> memref<128xi32, #tpu.memory_space<vmem>>
      %dma_wait3A_112 = arith.constant 0 : i32
      %dma_wait3A_113 = arith.constant 0 : i32
      %dma_wait3A_114 = tpu.memref_slice %arg4[%dma_wait3A_112, %dma_wait3A_113] : memref<100000x128xf32, #tpu.memory_space<hbm>> -> memref<100000x128xf32, #tpu.memory_space<hbm>>
      %dma_wait3A_115 = tpu.memref_slice %arg20[%and3A_98] : memref<2x!tpu.dma_semaphore, #tpu.memory_space<semaphore_mem>> -> memref<1x!tpu.dma_semaphore, #tpu.memory_space<semaphore_mem>>
      %dma_wait3A_116 = tpu.memref_squeeze %dma_wait3A_115 : memref<1x!tpu.dma_semaphore, #tpu.memory_space<semaphore_mem>> -> memref<!tpu.dma_semaphore, #tpu.memory_space<semaphore_mem>>
      tpu.wait_indirect_dma semaphore(%dma_wait3A_116 : memref<!tpu.dma_semaphore, #tpu.memory_space<semaphore_mem>>) src(%dma_wait3A_114 : memref<100000x128xf32, #tpu.memory_space<hbm>>) dst(%dma_wait3A_110 : memref<128x128xf32, #tpu.memory_space<vmem>>)
      %mul3A_117 = arith.constant 6400 : i32
      %mul3A_118 = arith.muli %add3A, %mul3A_117 : i32
      %mul3A_119 = arith.constant 128 : i32
      %mul3A_120 = arith.muli %scan3A_96, %mul3A_119 : i32
      %add3A_121 = arith.addi %mul3A_118, %mul3A_120 : i32
      %iota3A = tpu.iota {dimensions = array<i32: 0>} : vector<16xi32>
      %eq3A = arith.constant 15 : i32
      %eq3A_122 = vector.broadcast %eq3A : i32 to vector<16xi32>
      %eq3A_123 = arith.cmpi eq, %iota3A, %eq3A_122 : vector<16xi32>
      %add3A_124 = arith.constant 0 : i32
      %add3A_125 = vector.broadcast %add3A_124 : i32 to vector<16xi32>
      %add3A_126 = arith.addi %add3A_125, %iota3A : vector<16xi32>
      %add3A_127 = arith.constant 16 : i32
      %add3A_128 = vector.broadcast %add3A_127 : i32 to vector<16xi32>
      %add3A_129 = arith.addi %add3A_128, %iota3A : vector<16xi32>
      %add3A_130 = arith.constant 32 : i32
      %add3A_131 = vector.broadcast %add3A_130 : i32 to vector<16xi32>
      %add3A_132 = arith.addi %add3A_131, %iota3A : vector<16xi32>
      %add3A_133 = arith.constant 48 : i32
      %add3A_134 = vector.broadcast %add3A_133 : i32 to vector<16xi32>
      %add3A_135 = arith.addi %add3A_134, %iota3A : vector<16xi32>
      %add3A_136 = arith.constant 64 : i32
      %add3A_137 = vector.broadcast %add3A_136 : i32 to vector<16xi32>
      %add3A_138 = arith.addi %add3A_137, %iota3A : vector<16xi32>
      %add3A_139 = arith.constant 80 : i32
      %add3A_140 = vector.broadcast %add3A_139 : i32 to vector<16xi32>
      %add3A_141 = arith.addi %add3A_140, %iota3A : vector<16xi32>
      %add3A_142 = arith.constant 96 : i32
      %add3A_143 = vector.broadcast %add3A_142 : i32 to vector<16xi32>
      %add3A_144 = arith.addi %add3A_143, %iota3A : vector<16xi32>
      %add3A_145 = arith.constant 112 : i32
      %add3A_146 = vector.broadcast %add3A_145 : i32 to vector<16xi32>
      %add3A_147 = arith.addi %add3A_146, %iota3A : vector<16xi32>
      %scan3A_148 = arith.constant 0 : i32
      %scan3A_149 = arith.constant 0 : i32
      %scan3A_150 = arith.constant 8 : i32
      %scan3A_151 = arith.addi %scan3A_149, %scan3A_150 : i32
      %scan3A_152 = arith.constant 1 : i32
      %scan3A_153 = scf.for %scan3A_182 = %scan3A_149 to %scan3A_151 step %scan3A_152 iter_args(%scan3A_183 = %scan3A_148) -> (i32)  : i32 {
        %mul3A_184 = arith.constant 128 : i32
        %mul3A_185 = arith.muli %scan3A_96, %mul3A_184 : i32
        %mul3A_186 = arith.constant 16 : i32
        %mul3A_187 = arith.muli %scan3A_182, %mul3A_186 : i32
        %add3A_188 = arith.addi %mul3A_185, %mul3A_187 : i32
        %get3A_189 = arith.index_cast %add3A_188 : i32 to index
        %get3A_190 = tpu.vector_load %arg14[%get3A_189] {strides = array<i32>} : memref<6400xi32, #tpu.memory_space<vmem>>, vector<16xi32>,
        %mul3A_191 = arith.constant 16 : i32
        %mul3A_192 = arith.muli %scan3A_182, %mul3A_191 : i32
        %add3A_193 = arith.addi %add3A_121, %mul3A_192 : i32
        %add3A_194 = vector.broadcast %add3A_193 : i32 to vector<16xi32>
        %add3A_195 = arith.addi %add3A_194, %iota3A : vector<16xi32>
        %rem3A = arith.constant 200 : i32
        %rem3A_196 = vector.broadcast %rem3A : i32 to vector<16xi32>
        %rem3A_197 = arith.remsi %add3A_195, %rem3A_196 : vector<16xi32>
        %mul3A_198 = arith.constant 200 : i32
        %mul3A_199 = vector.broadcast %mul3A_198 : i32 to vector<16xi32>
        %mul3A_200 = arith.muli %get3A_190, %mul3A_199 : vector<16xi32>
        %add3A_201 = arith.addi %mul3A_200, %rem3A_197 : vector<16xi32>
        %mul3A_202 = arith.constant 16 : i32
        %mul3A_203 = arith.muli %scan3A_182, %mul3A_202 : i32
        %multiple_of3A_204 = tpu.assume_multiple %mul3A_203, 16 : i32
        %swap3A = arith.index_cast %multiple_of3A_204 : i32 to index
        %swap3A_205 = tpu.vector_load %arg18[%swap3A] {strides = array<i32>} : memref<128xi32, #tpu.memory_space<vmem>>, vector<16xi32>,
        tpu.vector_store %arg18[%swap3A], %add3A_201 {strides = array<i32>} : memref<128xi32, #tpu.memory_space<vmem>>, vector<16xi32>,
        %scan3A_206 = arith.constant 0 : i32
        scf.yield %scan3A_206 : i32
      }
      %scan3A_154 = arith.constant 8 : i32
      %parallel_loop3A = arith.constant 0 : i32
      %parallel_loop3A_155 = arith.constant 128 : i32
      %parallel_loop3A_156 = arith.constant 1 : i32
      scf.for %parallel_loop3A_182 = %parallel_loop3A to %parallel_loop3A_155 step %parallel_loop3A_156  : i32 {
        %parallel_loop3A_183 = vector.broadcast %parallel_loop3A_182 : i32 to vector<16xi32>
        %parallel_loop3A_184 = tpu.vector_load_idx %arg18[%parallel_loop3A_183] : memref<128xi32, #tpu.memory_space<vmem>>[vector<16xi32>], vector<16xi32>,
        %parallel_loop3A_185 = arith.constant 0.000000e+00 : f32
        %parallel_loop3A_186 = vector.broadcast %parallel_loop3A_185 : f32 to vector<16xf32>
        %parallel_loop3A_187 = arith.constant 0.000000e+00 : f32
        %parallel_loop3A_188 = vector.broadcast %parallel_loop3A_187 : f32 to vector<16xf32>
        %parallel_loop3A_189 = arith.index_cast %and3A_98 : i32 to index
        %parallel_loop3A_190 = arith.index_cast %parallel_loop3A_182 : i32 to index
        %parallel_loop3A_191 = arith.constant 0 : index
        %parallel_loop3A_192 = tpu.vector_load %arg12[%parallel_loop3A_189, %parallel_loop3A_190, %parallel_loop3A_191] {strides = array<i32>} : memref<2x128x128xf32, #tpu.memory_space<vmem>>, vector<16xf32>,
        %parallel_loop3A_193 = tpu.vector_load_idx %arg10[%parallel_loop3A_184, %add3A_126] : memref<400x128xf32, #tpu.memory_space<vmem>>[vector<16xi32>, vector<16xi32>], vector<16xf32>,
        %parallel_loop3A_194 = arith.addf %parallel_loop3A_192, %parallel_loop3A_193 : vector<16xf32>
        %parallel_loop3A_195 = arith.index_cast %and3A_98 : i32 to index
        %parallel_loop3A_196 = arith.index_cast %parallel_loop3A_182 : i32 to index
        %parallel_loop3A_197 = arith.constant 0 : index
        %parallel_loop3A_198 = tpu.vector_load %arg12[%parallel_loop3A_195, %parallel_loop3A_196, %parallel_loop3A_197] {strides = array<i32>} : memref<2x128x128xf32, #tpu.memory_space<vmem>>, vector<16xf32>,
        tpu.vector_store %arg12[%parallel_loop3A_195, %parallel_loop3A_196, %parallel_loop3A_197], %parallel_loop3A_194 {strides = array<i32>} : memref<2x128x128xf32, #tpu.memory_space<vmem>>, vector<16xf32>,
        %parallel_loop3A_199 = arith.addf %parallel_loop3A_186, %parallel_loop3A_194 : vector<16xf32>
        %parallel_loop3A_200 = arith.mulf %parallel_loop3A_194, %parallel_loop3A_194 : vector<16xf32>
        %parallel_loop3A_201 = arith.addf %parallel_loop3A_188, %parallel_loop3A_200 : vector<16xf32>
        %parallel_loop3A_202 = arith.index_cast %and3A_98 : i32 to index
        %parallel_loop3A_203 = arith.index_cast %parallel_loop3A_182 : i32 to index
        %parallel_loop3A_204 = arith.constant 16 : index
        %parallel_loop3A_205 = tpu.vector_load %arg12[%parallel_loop3A_202, %parallel_loop3A_203, %parallel_loop3A_204] {strides = array<i32>} : memref<2x128x128xf32, #tpu.memory_space<vmem>>, vector<16xf32>,
        %parallel_loop3A_206 = tpu.vector_load_idx %arg10[%parallel_loop3A_184, %add3A_129] : memref<400x128xf32, #tpu.memory_space<vmem>>[vector<16xi32>, vector<16xi32>], vector<16xf32>,
        %parallel_loop3A_207 = arith.addf %parallel_loop3A_205, %parallel_loop3A_206 : vector<16xf32>
        %parallel_loop3A_208 = arith.index_cast %and3A_98 : i32 to index
        %parallel_loop3A_209 = arith.index_cast %parallel_loop3A_182 : i32 to index
        %parallel_loop3A_210 = arith.constant 16 : index
        %parallel_loop3A_211 = tpu.vector_load %arg12[%parallel_loop3A_208, %parallel_loop3A_209, %parallel_loop3A_210] {strides = array<i32>} : memref<2x128x128xf32, #tpu.memory_space<vmem>>, vector<16xf32>,
        tpu.vector_store %arg12[%parallel_loop3A_208, %parallel_loop3A_209, %parallel_loop3A_210], %parallel_loop3A_207 {strides = array<i32>} : memref<2x128x128xf32, #tpu.memory_space<vmem>>, vector<16xf32>,
        %parallel_loop3A_212 = arith.addf %parallel_loop3A_199, %parallel_loop3A_207 : vector<16xf32>
        %parallel_loop3A_213 = arith.mulf %parallel_loop3A_207, %parallel_loop3A_207 : vector<16xf32>
        %parallel_loop3A_214 = arith.addf %parallel_loop3A_201, %parallel_loop3A_213 : vector<16xf32>
        %parallel_loop3A_215 = arith.index_cast %and3A_98 : i32 to index
        %parallel_loop3A_216 = arith.index_cast %parallel_loop3A_182 : i32 to index
        %parallel_loop3A_217 = arith.constant 32 : index
        %parallel_loop3A_218 = tpu.vector_load %arg12[%parallel_loop3A_215, %parallel_loop3A_216, %parallel_loop3A_217] {strides = array<i32>} : memref<2x128x128xf32, #tpu.memory_space<vmem>>, vector<16xf32>,
        %parallel_loop3A_219 = tpu.vector_load_idx %arg10[%parallel_loop3A_184, %add3A_132] : memref<400x128xf32, #tpu.memory_space<vmem>>[vector<16xi32>, vector<16xi32>], vector<16xf32>,
        %parallel_loop3A_220 = arith.addf %parallel_loop3A_218, %parallel_loop3A_219 : vector<16xf32>
        %parallel_loop3A_221 = arith.index_cast %and3A_98 : i32 to index
        %parallel_loop3A_222 = arith.index_cast %parallel_loop3A_182 : i32 to index
        %parallel_loop3A_223 = arith.constant 32 : index
        %parallel_loop3A_224 = tpu.vector_load %arg12[%parallel_loop3A_221, %parallel_loop3A_222, %parallel_loop3A_223] {strides = array<i32>} : memref<2x128x128xf32, #tpu.memory_space<vmem>>, vector<16xf32>,
        tpu.vector_store %arg12[%parallel_loop3A_221, %parallel_loop3A_222, %parallel_loop3A_223], %parallel_loop3A_220 {strides = array<i32>} : memref<2x128x128xf32, #tpu.memory_space<vmem>>, vector<16xf32>,
        %parallel_loop3A_225 = arith.addf %parallel_loop3A_212, %parallel_loop3A_220 : vector<16xf32>
        %parallel_loop3A_226 = arith.mulf %parallel_loop3A_220, %parallel_loop3A_220 : vector<16xf32>
        %parallel_loop3A_227 = arith.addf %parallel_loop3A_214, %parallel_loop3A_226 : vector<16xf32>
        %parallel_loop3A_228 = arith.index_cast %and3A_98 : i32 to index
        %parallel_loop3A_229 = arith.index_cast %parallel_loop3A_182 : i32 to index
        %parallel_loop3A_230 = arith.constant 48 : index
        %parallel_loop3A_231 = tpu.vector_load %arg12[%parallel_loop3A_228, %parallel_loop3A_229, %parallel_loop3A_230] {strides = array<i32>} : memref<2x128x128xf32, #tpu.memory_space<vmem>>, vector<16xf32>,
        %parallel_loop3A_232 = tpu.vector_load_idx %arg10[%parallel_loop3A_184, %add3A_135] : memref<400x128xf32, #tpu.memory_space<vmem>>[vector<16xi32>, vector<16xi32>], vector<16xf32>,
        %parallel_loop3A_233 = arith.addf %parallel_loop3A_231, %parallel_loop3A_232 : vector<16xf32>
        %parallel_loop3A_234 = arith.index_cast %and3A_98 : i32 to index
        %parallel_loop3A_235 = arith.index_cast %parallel_loop3A_182 : i32 to index
        %parallel_loop3A_236 = arith.constant 48 : index
        %parallel_loop3A_237 = tpu.vector_load %arg12[%parallel_loop3A_234, %parallel_loop3A_235, %parallel_loop3A_236] {strides = array<i32>} : memref<2x128x128xf32, #tpu.memory_space<vmem>>, vector<16xf32>,
        tpu.vector_store %arg12[%parallel_loop3A_234, %parallel_loop3A_235, %parallel_loop3A_236], %parallel_loop3A_233 {strides = array<i32>} : memref<2x128x128xf32, #tpu.memory_space<vmem>>, vector<16xf32>,
        %parallel_loop3A_238 = arith.addf %parallel_loop3A_225, %parallel_loop3A_233 : vector<16xf32>
        %parallel_loop3A_239 = arith.mulf %parallel_loop3A_233, %parallel_loop3A_233 : vector<16xf32>
        %parallel_loop3A_240 = arith.addf %parallel_loop3A_227, %parallel_loop3A_239 : vector<16xf32>
        %parallel_loop3A_241 = arith.index_cast %and3A_98 : i32 to index
        %parallel_loop3A_242 = arith.index_cast %parallel_loop3A_182 : i32 to index
        %parallel_loop3A_243 = arith.constant 64 : index
        %parallel_loop3A_244 = tpu.vector_load %arg12[%parallel_loop3A_241, %parallel_loop3A_242, %parallel_loop3A_243] {strides = array<i32>} : memref<2x128x128xf32, #tpu.memory_space<vmem>>, vector<16xf32>,
        %parallel_loop3A_245 = tpu.vector_load_idx %arg10[%parallel_loop3A_184, %add3A_138] : memref<400x128xf32, #tpu.memory_space<vmem>>[vector<16xi32>, vector<16xi32>], vector<16xf32>,
        %parallel_loop3A_246 = arith.addf %parallel_loop3A_244, %parallel_loop3A_245 : vector<16xf32>
        %parallel_loop3A_247 = arith.index_cast %and3A_98 : i32 to index
        %parallel_loop3A_248 = arith.index_cast %parallel_loop3A_182 : i32 to index
        %parallel_loop3A_249 = arith.constant 64 : index
        %parallel_loop3A_250 = tpu.vector_load %arg12[%parallel_loop3A_247, %parallel_loop3A_248, %parallel_loop3A_249] {strides = array<i32>} : memref<2x128x128xf32, #tpu.memory_space<vmem>>, vector<16xf32>,
        tpu.vector_store %arg12[%parallel_loop3A_247, %parallel_loop3A_248, %parallel_loop3A_249], %parallel_loop3A_246 {strides = array<i32>} : memref<2x128x128xf32, #tpu.memory_space<vmem>>, vector<16xf32>,
        %parallel_loop3A_251 = arith.addf %parallel_loop3A_238, %parallel_loop3A_246 : vector<16xf32>
        %parallel_loop3A_252 = arith.mulf %parallel_loop3A_246, %parallel_loop3A_246 : vector<16xf32>
        %parallel_loop3A_253 = arith.addf %parallel_loop3A_240, %parallel_loop3A_252 : vector<16xf32>
        %parallel_loop3A_254 = arith.index_cast %and3A_98 : i32 to index
        %parallel_loop3A_255 = arith.index_cast %parallel_loop3A_182 : i32 to index
        %parallel_loop3A_256 = arith.constant 80 : index
        %parallel_loop3A_257 = tpu.vector_load %arg12[%parallel_loop3A_254, %parallel_loop3A_255, %parallel_loop3A_256] {strides = array<i32>} : memref<2x128x128xf32, #tpu.memory_space<vmem>>, vector<16xf32>,
        %parallel_loop3A_258 = tpu.vector_load_idx %arg10[%parallel_loop3A_184, %add3A_141] : memref<400x128xf32, #tpu.memory_space<vmem>>[vector<16xi32>, vector<16xi32>], vector<16xf32>,
        %parallel_loop3A_259 = arith.addf %parallel_loop3A_257, %parallel_loop3A_258 : vector<16xf32>
        %parallel_loop3A_260 = arith.index_cast %and3A_98 : i32 to index
        %parallel_loop3A_261 = arith.index_cast %parallel_loop3A_182 : i32 to index
        %parallel_loop3A_262 = arith.constant 80 : index
        %parallel_loop3A_263 = tpu.vector_load %arg12[%parallel_loop3A_260, %parallel_loop3A_261, %parallel_loop3A_262] {strides = array<i32>} : memref<2x128x128xf32, #tpu.memory_space<vmem>>, vector<16xf32>,
        tpu.vector_store %arg12[%parallel_loop3A_260, %parallel_loop3A_261, %parallel_loop3A_262], %parallel_loop3A_259 {strides = array<i32>} : memref<2x128x128xf32, #tpu.memory_space<vmem>>, vector<16xf32>,
        %parallel_loop3A_264 = arith.addf %parallel_loop3A_251, %parallel_loop3A_259 : vector<16xf32>
        %parallel_loop3A_265 = arith.mulf %parallel_loop3A_259, %parallel_loop3A_259 : vector<16xf32>
        %parallel_loop3A_266 = arith.addf %parallel_loop3A_253, %parallel_loop3A_265 : vector<16xf32>
        %parallel_loop3A_267 = arith.index_cast %and3A_98 : i32 to index
        %parallel_loop3A_268 = arith.index_cast %parallel_loop3A_182 : i32 to index
        %parallel_loop3A_269 = arith.constant 96 : index
        %parallel_loop3A_270 = tpu.vector_load %arg12[%parallel_loop3A_267, %parallel_loop3A_268, %parallel_loop3A_269] {strides = array<i32>} : memref<2x128x128xf32, #tpu.memory_space<vmem>>, vector<16xf32>,
        %parallel_loop3A_271 = tpu.vector_load_idx %arg10[%parallel_loop3A_184, %add3A_144] : memref<400x128xf32, #tpu.memory_space<vmem>>[vector<16xi32>, vector<16xi32>], vector<16xf32>,
        %parallel_loop3A_272 = arith.addf %parallel_loop3A_270, %parallel_loop3A_271 : vector<16xf32>
        %parallel_loop3A_273 = arith.index_cast %and3A_98 : i32 to index
        %parallel_loop3A_274 = arith.index_cast %parallel_loop3A_182 : i32 to index
        %parallel_loop3A_275 = arith.constant 96 : index
        %parallel_loop3A_276 = tpu.vector_load %arg12[%parallel_loop3A_273, %parallel_loop3A_274, %parallel_loop3A_275] {strides = array<i32>} : memref<2x128x128xf32, #tpu.memory_space<vmem>>, vector<16xf32>,
        tpu.vector_store %arg12[%parallel_loop3A_273, %parallel_loop3A_274, %parallel_loop3A_275], %parallel_loop3A_272 {strides = array<i32>} : memref<2x128x128xf32, #tpu.memory_space<vmem>>, vector<16xf32>,
        %parallel_loop3A_277 = arith.addf %parallel_loop3A_264, %parallel_loop3A_272 : vector<16xf32>
        %parallel_loop3A_278 = arith.mulf %parallel_loop3A_272, %parallel_loop3A_272 : vector<16xf32>
        %parallel_loop3A_279 = arith.addf %parallel_loop3A_266, %parallel_loop3A_278 : vector<16xf32>
        %parallel_loop3A_280 = arith.index_cast %and3A_98 : i32 to index
        %parallel_loop3A_281 = arith.index_cast %parallel_loop3A_182 : i32 to index
        %parallel_loop3A_282 = arith.constant 112 : index
        %parallel_loop3A_283 = tpu.vector_load %arg12[%parallel_loop3A_280, %parallel_loop3A_281, %parallel_loop3A_282] {strides = array<i32>} : memref<2x128x128xf32, #tpu.memory_space<vmem>>, vector<16xf32>,
        %parallel_loop3A_284 = tpu.vector_load_idx %arg10[%parallel_loop3A_184, %add3A_147] : memref<400x128xf32, #tpu.memory_space<vmem>>[vector<16xi32>, vector<16xi32>], vector<16xf32>,
        %parallel_loop3A_285 = arith.addf %parallel_loop3A_283, %parallel_loop3A_284 : vector<16xf32>
        %parallel_loop3A_286 = arith.index_cast %and3A_98 : i32 to index
        %parallel_loop3A_287 = arith.index_cast %parallel_loop3A_182 : i32 to index
        %parallel_loop3A_288 = arith.constant 112 : index
        %parallel_loop3A_289 = tpu.vector_load %arg12[%parallel_loop3A_286, %parallel_loop3A_287, %parallel_loop3A_288] {strides = array<i32>} : memref<2x128x128xf32, #tpu.memory_space<vmem>>, vector<16xf32>,
        tpu.vector_store %arg12[%parallel_loop3A_286, %parallel_loop3A_287, %parallel_loop3A_288], %parallel_loop3A_285 {strides = array<i32>} : memref<2x128x128xf32, #tpu.memory_space<vmem>>, vector<16xf32>,
        %parallel_loop3A_290 = arith.addf %parallel_loop3A_277, %parallel_loop3A_285 : vector<16xf32>
        %parallel_loop3A_291 = arith.mulf %parallel_loop3A_285, %parallel_loop3A_285 : vector<16xf32>
        %parallel_loop3A_292 = arith.addf %parallel_loop3A_279, %parallel_loop3A_291 : vector<16xf32>
        %parallel_loop3A_293 = arith.constant true
        %parallel_loop3A_294 = vector.broadcast %parallel_loop3A_293 : i1 to vector<16xi1>
        %parallel_loop3A_295 = tpu.scan <sum>, %parallel_loop3A_290 masked %parallel_loop3A_294 : vector<16xf32>, vector<16xi1> -> vector<16xf32>
        %parallel_loop3A_296 = arith.constant true
        %parallel_loop3A_297 = vector.broadcast %parallel_loop3A_296 : i1 to vector<16xi1>
        %parallel_loop3A_298 = tpu.scan <sum>, %parallel_loop3A_292 masked %parallel_loop3A_297 : vector<16xf32>, vector<16xi1> -> vector<16xf32>
        tpu.vector_store_idx %arg19[%parallel_loop3A_183], %parallel_loop3A_295 masked %eq3A_123 : memref<256xf32, #tpu.memory_space<vmem>>[vector<16xi32>], vector<16xf32>, vector<16xi1>
        %parallel_loop3A_299 = arith.constant 128 : i32
        %parallel_loop3A_300 = vector.broadcast %parallel_loop3A_299 : i32 to vector<16xi32>
        %parallel_loop3A_301 = arith.addi %parallel_loop3A_183, %parallel_loop3A_300 : vector<16xi32>
        tpu.vector_store_idx %arg19[%parallel_loop3A_301], %parallel_loop3A_298 masked %eq3A_123 : memref<256xf32, #tpu.memory_space<vmem>>[vector<16xi32>], vector<16xf32>, vector<16xi1>
      } {sc.loop_unroll_factor = 4 : i64, sc.parallel_access}
      %scan3A_157 = arith.constant 0 : i32
      %scan3A_158 = arith.constant 0 : i32
      %scan3A_159 = arith.constant 8 : i32
      %scan3A_160 = arith.addi %scan3A_158, %scan3A_159 : i32
      %scan3A_161 = arith.constant 1 : i32
      %scan3A_162 = scf.for %scan3A_182 = %scan3A_158 to %scan3A_160 step %scan3A_161 iter_args(%scan3A_183 = %scan3A_157) -> (i32)  : i32 {
        %mul3A_184 = arith.constant 16 : i32
        %mul3A_185 = arith.muli %scan3A_182, %mul3A_184 : i32
        %multiple_of3A_186 = tpu.assume_multiple %mul3A_185, 16 : i32
        %get3A_187 = arith.index_cast %multiple_of3A_186 : i32 to index
        %get3A_188 = tpu.vector_load %arg19[%get3A_187] {strides = array<i32>} : memref<256xf32, #tpu.memory_space<vmem>>, vector<16xf32>,
        %mul3A_189 = arith.constant 16 : i32
        %mul3A_190 = arith.muli %scan3A_182, %mul3A_189 : i32
        %add3A_191 = arith.constant 128 : i32
        %add3A_192 = arith.addi %add3A_191, %mul3A_190 : i32
        %multiple_of3A_193 = tpu.assume_multiple %add3A_192, 16 : i32
        %get3A_194 = arith.index_cast %multiple_of3A_193 : i32 to index
        %get3A_195 = tpu.vector_load %arg19[%get3A_194] {strides = array<i32>} : memref<256xf32, #tpu.memory_space<vmem>>, vector<16xf32>,
        %mul3A_196 = arith.constant 7.812500e-03 : f32
        %mul3A_197 = vector.broadcast %mul3A_196 : f32 to vector<16xf32>
        %mul3A_198 = arith.mulf %get3A_188, %mul3A_197 : vector<16xf32>
        %mul3A_199 = arith.constant 7.812500e-03 : f32
        %mul3A_200 = vector.broadcast %mul3A_199 : f32 to vector<16xf32>
        %mul3A_201 = arith.mulf %get3A_195, %mul3A_200 : vector<16xf32>
        %mul3A_202 = arith.mulf %mul3A_198, %mul3A_198 : vector<16xf32>
        %sub3A_203 = arith.subf %mul3A_201, %mul3A_202 : vector<16xf32>
        %add3A_204 = arith.constant 9.99999996E-13 : f32
        %add3A_205 = vector.broadcast %add3A_204 : f32 to vector<16xf32>
        %add3A_206 = arith.addf %sub3A_203, %add3A_205 : vector<16xf32>
        %bitcast3A = vector.bitcast %add3A_206 : vector<16xf32> to vector<16xi32>
        %shift_right_arithmetic3A = arith.constant 1 : i32
        %shift_right_arithmetic3A_207 = vector.broadcast %shift_right_arithmetic3A : i32 to vector<16xi32>
        %shift_right_arithmetic3A_208 = arith.shrsi %bitcast3A, %shift_right_arithmetic3A_207 : vector<16xi32>
        %sub3A_209 = arith.constant 1597463007 : i32
        %sub3A_210 = vector.broadcast %sub3A_209 : i32 to vector<16xi32>
        %sub3A_211 = arith.subi %sub3A_210, %shift_right_arithmetic3A_208 : vector<16xi32>
        %bitcast3A_212 = vector.bitcast %sub3A_211 : vector<16xi32> to vector<16xf32>
        %mul3A_213 = arith.constant 5.000000e-01 : f32
        %mul3A_214 = vector.broadcast %mul3A_213 : f32 to vector<16xf32>
        %mul3A_215 = arith.mulf %add3A_206, %mul3A_214 : vector<16xf32>
        %mul3A_216 = arith.mulf %mul3A_215, %bitcast3A_212 : vector<16xf32>
        %mul3A_217 = arith.mulf %mul3A_216, %bitcast3A_212 : vector<16xf32>
        %sub3A_218 = arith.constant 1.500000e+00 : f32
        %sub3A_219 = vector.broadcast %sub3A_218 : f32 to vector<16xf32>
        %sub3A_220 = arith.subf %sub3A_219, %mul3A_217 : vector<16xf32>
        %mul3A_221 = arith.mulf %bitcast3A_212, %sub3A_220 : vector<16xf32>
        %mul3A_222 = arith.mulf %mul3A_215, %mul3A_221 : vector<16xf32>
        %mul3A_223 = arith.mulf %mul3A_222, %mul3A_221 : vector<16xf32>
        %sub3A_224 = arith.constant 1.500000e+00 : f32
        %sub3A_225 = vector.broadcast %sub3A_224 : f32 to vector<16xf32>
        %sub3A_226 = arith.subf %sub3A_225, %mul3A_223 : vector<16xf32>
        %mul3A_227 = arith.mulf %mul3A_221, %sub3A_226 : vector<16xf32>
        %mul3A_228 = arith.mulf %mul3A_215, %mul3A_227 : vector<16xf32>
        %mul3A_229 = arith.mulf %mul3A_228, %mul3A_227 : vector<16xf32>
        %sub3A_230 = arith.constant 1.500000e+00 : f32
        %sub3A_231 = vector.broadcast %sub3A_230 : f32 to vector<16xf32>
        %sub3A_232 = arith.subf %sub3A_231, %mul3A_229 : vector<16xf32>
        %mul3A_233 = arith.mulf %mul3A_227, %sub3A_232 : vector<16xf32>
        %swap3A = arith.index_cast %multiple_of3A_186 : i32 to index
        %swap3A_234 = tpu.vector_load %arg17[%swap3A] {strides = array<i32>} : memref<256xf32, #tpu.memory_space<vmem>>, vector<16xf32>,
        tpu.vector_store %arg17[%swap3A], %mul3A_233 {strides = array<i32>} : memref<256xf32, #tpu.memory_space<vmem>>, vector<16xf32>,
        %mul3A_235 = arith.mulf %mul3A_198, %mul3A_233 : vector<16xf32>
        %mul3A_236 = arith.constant 16 : i32
        %mul3A_237 = arith.muli %scan3A_182, %mul3A_236 : i32
        %add3A_238 = arith.constant 128 : i32
        %add3A_239 = arith.addi %add3A_238, %mul3A_237 : i32
        %multiple_of3A_240 = tpu.assume_multiple %add3A_239, 16 : i32
        %swap3A_241 = arith.index_cast %multiple_of3A_240 : i32 to index
        %swap3A_242 = tpu.vector_load %arg17[%swap3A_241] {strides = array<i32>} : memref<256xf32, #tpu.memory_space<vmem>>, vector<16xf32>,
        tpu.vector_store %arg17[%swap3A_241], %mul3A_235 {strides = array<i32>} : memref<256xf32, #tpu.memory_space<vmem>>, vector<16xf32>,
        %scan3A_243 = arith.constant 0 : i32
        scf.yield %scan3A_243 : i32
      }
      %scan3A_163 = arith.constant 8 : i32
      %parallel_loop3A_164 = arith.constant 0 : i32
      %parallel_loop3A_165 = arith.constant 128 : i32
      %parallel_loop3A_166 = arith.constant 1 : i32
      scf.for %parallel_loop3A_182 = %parallel_loop3A_164 to %parallel_loop3A_165 step %parallel_loop3A_166  : i32 {
        %parallel_loop3A_183 = vector.broadcast %parallel_loop3A_182 : i32 to vector<16xi32>
        %parallel_loop3A_184 = tpu.vector_load_idx %arg17[%parallel_loop3A_183] : memref<256xf32, #tpu.memory_space<vmem>>[vector<16xi32>], vector<16xf32>,
        %parallel_loop3A_185 = arith.constant 128 : i32
        %parallel_loop3A_186 = vector.broadcast %parallel_loop3A_185 : i32 to vector<16xi32>
        %parallel_loop3A_187 = arith.addi %parallel_loop3A_183, %parallel_loop3A_186 : vector<16xi32>
        %parallel_loop3A_188 = tpu.vector_load_idx %arg17[%parallel_loop3A_187] : memref<256xf32, #tpu.memory_space<vmem>>[vector<16xi32>], vector<16xf32>,
        %parallel_loop3A_189 = arith.index_cast %and3A_98 : i32 to index
        %parallel_loop3A_190 = arith.index_cast %parallel_loop3A_182 : i32 to index
        %parallel_loop3A_191 = arith.constant 0 : index
        %parallel_loop3A_192 = tpu.vector_load %arg12[%parallel_loop3A_189, %parallel_loop3A_190, %parallel_loop3A_191] {strides = array<i32>} : memref<2x128x128xf32, #tpu.memory_space<vmem>>, vector<16xf32>,
        %parallel_loop3A_193 = arith.mulf %parallel_loop3A_192, %parallel_loop3A_184 : vector<16xf32>
        %parallel_loop3A_194 = arith.subf %parallel_loop3A_193, %parallel_loop3A_188 : vector<16xf32>
        %parallel_loop3A_195 = arith.mulf %parallel_loop3A_194, %get3A_11 : vector<16xf32>
        %parallel_loop3A_196 = arith.addf %parallel_loop3A_195, %get3A_27 : vector<16xf32>
        %parallel_loop3A_197 = arith.index_cast %and3A_98 : i32 to index
        %parallel_loop3A_198 = arith.index_cast %parallel_loop3A_182 : i32 to index
        %parallel_loop3A_199 = arith.constant 0 : index
        %parallel_loop3A_200 = tpu.vector_load %arg12[%parallel_loop3A_197, %parallel_loop3A_198, %parallel_loop3A_199] {strides = array<i32>} : memref<2x128x128xf32, #tpu.memory_space<vmem>>, vector<16xf32>,
        tpu.vector_store %arg12[%parallel_loop3A_197, %parallel_loop3A_198, %parallel_loop3A_199], %parallel_loop3A_196 {strides = array<i32>} : memref<2x128x128xf32, #tpu.memory_space<vmem>>, vector<16xf32>,
        %parallel_loop3A_201 = arith.index_cast %and3A_98 : i32 to index
        %parallel_loop3A_202 = arith.index_cast %parallel_loop3A_182 : i32 to index
        %parallel_loop3A_203 = arith.constant 16 : index
        %parallel_loop3A_204 = tpu.vector_load %arg12[%parallel_loop3A_201, %parallel_loop3A_202, %parallel_loop3A_203] {strides = array<i32>} : memref<2x128x128xf32, #tpu.memory_space<vmem>>, vector<16xf32>,
        %parallel_loop3A_205 = arith.mulf %parallel_loop3A_204, %parallel_loop3A_184 : vector<16xf32>
        %parallel_loop3A_206 = arith.subf %parallel_loop3A_205, %parallel_loop3A_188 : vector<16xf32>
        %parallel_loop3A_207 = arith.mulf %parallel_loop3A_206, %get3A_13 : vector<16xf32>
        %parallel_loop3A_208 = arith.addf %parallel_loop3A_207, %get3A_29 : vector<16xf32>
        %parallel_loop3A_209 = arith.index_cast %and3A_98 : i32 to index
        %parallel_loop3A_210 = arith.index_cast %parallel_loop3A_182 : i32 to index
        %parallel_loop3A_211 = arith.constant 16 : index
        %parallel_loop3A_212 = tpu.vector_load %arg12[%parallel_loop3A_209, %parallel_loop3A_210, %parallel_loop3A_211] {strides = array<i32>} : memref<2x128x128xf32, #tpu.memory_space<vmem>>, vector<16xf32>,
        tpu.vector_store %arg12[%parallel_loop3A_209, %parallel_loop3A_210, %parallel_loop3A_211], %parallel_loop3A_208 {strides = array<i32>} : memref<2x128x128xf32, #tpu.memory_space<vmem>>, vector<16xf32>,
        %parallel_loop3A_213 = arith.index_cast %and3A_98 : i32 to index
        %parallel_loop3A_214 = arith.index_cast %parallel_loop3A_182 : i32 to index
        %parallel_loop3A_215 = arith.constant 32 : index
        %parallel_loop3A_216 = tpu.vector_load %arg12[%parallel_loop3A_213, %parallel_loop3A_214, %parallel_loop3A_215] {strides = array<i32>} : memref<2x128x128xf32, #tpu.memory_space<vmem>>, vector<16xf32>,
        %parallel_loop3A_217 = arith.mulf %parallel_loop3A_216, %parallel_loop3A_184 : vector<16xf32>
        %parallel_loop3A_218 = arith.subf %parallel_loop3A_217, %parallel_loop3A_188 : vector<16xf32>
        %parallel_loop3A_219 = arith.mulf %parallel_loop3A_218, %get3A_15 : vector<16xf32>
        %parallel_loop3A_220 = arith.addf %parallel_loop3A_219, %get3A_31 : vector<16xf32>
        %parallel_loop3A_221 = arith.index_cast %and3A_98 : i32 to index
        %parallel_loop3A_222 = arith.index_cast %parallel_loop3A_182 : i32 to index
        %parallel_loop3A_223 = arith.constant 32 : index
        %parallel_loop3A_224 = tpu.vector_load %arg12[%parallel_loop3A_221, %parallel_loop3A_222, %parallel_loop3A_223] {strides = array<i32>} : memref<2x128x128xf32, #tpu.memory_space<vmem>>, vector<16xf32>,
        tpu.vector_store %arg12[%parallel_loop3A_221, %parallel_loop3A_222, %parallel_loop3A_223], %parallel_loop3A_220 {strides = array<i32>} : memref<2x128x128xf32, #tpu.memory_space<vmem>>, vector<16xf32>,
        %parallel_loop3A_225 = arith.index_cast %and3A_98 : i32 to index
        %parallel_loop3A_226 = arith.index_cast %parallel_loop3A_182 : i32 to index
        %parallel_loop3A_227 = arith.constant 48 : index
        %parallel_loop3A_228 = tpu.vector_load %arg12[%parallel_loop3A_225, %parallel_loop3A_226, %parallel_loop3A_227] {strides = array<i32>} : memref<2x128x128xf32, #tpu.memory_space<vmem>>, vector<16xf32>,
        %parallel_loop3A_229 = arith.mulf %parallel_loop3A_228, %parallel_loop3A_184 : vector<16xf32>
        %parallel_loop3A_230 = arith.subf %parallel_loop3A_229, %parallel_loop3A_188 : vector<16xf32>
        %parallel_loop3A_231 = arith.mulf %parallel_loop3A_230, %get3A_17 : vector<16xf32>
        %parallel_loop3A_232 = arith.addf %parallel_loop3A_231, %get3A_33 : vector<16xf32>
        %parallel_loop3A_233 = arith.index_cast %and3A_98 : i32 to index
        %parallel_loop3A_234 = arith.index_cast %parallel_loop3A_182 : i32 to index
        %parallel_loop3A_235 = arith.constant 48 : index
        %parallel_loop3A_236 = tpu.vector_load %arg12[%parallel_loop3A_233, %parallel_loop3A_234, %parallel_loop3A_235] {strides = array<i32>} : memref<2x128x128xf32, #tpu.memory_space<vmem>>, vector<16xf32>,
        tpu.vector_store %arg12[%parallel_loop3A_233, %parallel_loop3A_234, %parallel_loop3A_235], %parallel_loop3A_232 {strides = array<i32>} : memref<2x128x128xf32, #tpu.memory_space<vmem>>, vector<16xf32>,
        %parallel_loop3A_237 = arith.index_cast %and3A_98 : i32 to index
        %parallel_loop3A_238 = arith.index_cast %parallel_loop3A_182 : i32 to index
        %parallel_loop3A_239 = arith.constant 64 : index
        %parallel_loop3A_240 = tpu.vector_load %arg12[%parallel_loop3A_237, %parallel_loop3A_238, %parallel_loop3A_239] {strides = array<i32>} : memref<2x128x128xf32, #tpu.memory_space<vmem>>, vector<16xf32>,
        %parallel_loop3A_241 = arith.mulf %parallel_loop3A_240, %parallel_loop3A_184 : vector<16xf32>
        %parallel_loop3A_242 = arith.subf %parallel_loop3A_241, %parallel_loop3A_188 : vector<16xf32>
        %parallel_loop3A_243 = arith.mulf %parallel_loop3A_242, %get3A_19 : vector<16xf32>
        %parallel_loop3A_244 = arith.addf %parallel_loop3A_243, %get3A_35 : vector<16xf32>
        %parallel_loop3A_245 = arith.index_cast %and3A_98 : i32 to index
        %parallel_loop3A_246 = arith.index_cast %parallel_loop3A_182 : i32 to index
        %parallel_loop3A_247 = arith.constant 64 : index
        %parallel_loop3A_248 = tpu.vector_load %arg12[%parallel_loop3A_245, %parallel_loop3A_246, %parallel_loop3A_247] {strides = array<i32>} : memref<2x128x128xf32, #tpu.memory_space<vmem>>, vector<16xf32>,
        tpu.vector_store %arg12[%parallel_loop3A_245, %parallel_loop3A_246, %parallel_loop3A_247], %parallel_loop3A_244 {strides = array<i32>} : memref<2x128x128xf32, #tpu.memory_space<vmem>>, vector<16xf32>,
        %parallel_loop3A_249 = arith.index_cast %and3A_98 : i32 to index
        %parallel_loop3A_250 = arith.index_cast %parallel_loop3A_182 : i32 to index
        %parallel_loop3A_251 = arith.constant 80 : index
        %parallel_loop3A_252 = tpu.vector_load %arg12[%parallel_loop3A_249, %parallel_loop3A_250, %parallel_loop3A_251] {strides = array<i32>} : memref<2x128x128xf32, #tpu.memory_space<vmem>>, vector<16xf32>,
        %parallel_loop3A_253 = arith.mulf %parallel_loop3A_252, %parallel_loop3A_184 : vector<16xf32>
        %parallel_loop3A_254 = arith.subf %parallel_loop3A_253, %parallel_loop3A_188 : vector<16xf32>
        %parallel_loop3A_255 = arith.mulf %parallel_loop3A_254, %get3A_21 : vector<16xf32>
        %parallel_loop3A_256 = arith.addf %parallel_loop3A_255, %get3A_37 : vector<16xf32>
        %parallel_loop3A_257 = arith.index_cast %and3A_98 : i32 to index
        %parallel_loop3A_258 = arith.index_cast %parallel_loop3A_182 : i32 to index
        %parallel_loop3A_259 = arith.constant 80 : index
        %parallel_loop3A_260 = tpu.vector_load %arg12[%parallel_loop3A_257, %parallel_loop3A_258, %parallel_loop3A_259] {strides = array<i32>} : memref<2x128x128xf32, #tpu.memory_space<vmem>>, vector<16xf32>,
        tpu.vector_store %arg12[%parallel_loop3A_257, %parallel_loop3A_258, %parallel_loop3A_259], %parallel_loop3A_256 {strides = array<i32>} : memref<2x128x128xf32, #tpu.memory_space<vmem>>, vector<16xf32>,
        %parallel_loop3A_261 = arith.index_cast %and3A_98 : i32 to index
        %parallel_loop3A_262 = arith.index_cast %parallel_loop3A_182 : i32 to index
        %parallel_loop3A_263 = arith.constant 96 : index
        %parallel_loop3A_264 = tpu.vector_load %arg12[%parallel_loop3A_261, %parallel_loop3A_262, %parallel_loop3A_263] {strides = array<i32>} : memref<2x128x128xf32, #tpu.memory_space<vmem>>, vector<16xf32>,
        %parallel_loop3A_265 = arith.mulf %parallel_loop3A_264, %parallel_loop3A_184 : vector<16xf32>
        %parallel_loop3A_266 = arith.subf %parallel_loop3A_265, %parallel_loop3A_188 : vector<16xf32>
        %parallel_loop3A_267 = arith.mulf %parallel_loop3A_266, %get3A_23 : vector<16xf32>
        %parallel_loop3A_268 = arith.addf %parallel_loop3A_267, %get3A_39 : vector<16xf32>
        %parallel_loop3A_269 = arith.index_cast %and3A_98 : i32 to index
        %parallel_loop3A_270 = arith.index_cast %parallel_loop3A_182 : i32 to index
        %parallel_loop3A_271 = arith.constant 96 : index
        %parallel_loop3A_272 = tpu.vector_load %arg12[%parallel_loop3A_269, %parallel_loop3A_270, %parallel_loop3A_271] {strides = array<i32>} : memref<2x128x128xf32, #tpu.memory_space<vmem>>, vector<16xf32>,
        tpu.vector_store %arg12[%parallel_loop3A_269, %parallel_loop3A_270, %parallel_loop3A_271], %parallel_loop3A_268 {strides = array<i32>} : memref<2x128x128xf32, #tpu.memory_space<vmem>>, vector<16xf32>,
        %parallel_loop3A_273 = arith.index_cast %and3A_98 : i32 to index
        %parallel_loop3A_274 = arith.index_cast %parallel_loop3A_182 : i32 to index
        %parallel_loop3A_275 = arith.constant 112 : index
        %parallel_loop3A_276 = tpu.vector_load %arg12[%parallel_loop3A_273, %parallel_loop3A_274, %parallel_loop3A_275] {strides = array<i32>} : memref<2x128x128xf32, #tpu.memory_space<vmem>>, vector<16xf32>,
        %parallel_loop3A_277 = arith.mulf %parallel_loop3A_276, %parallel_loop3A_184 : vector<16xf32>
        %parallel_loop3A_278 = arith.subf %parallel_loop3A_277, %parallel_loop3A_188 : vector<16xf32>
        %parallel_loop3A_279 = arith.mulf %parallel_loop3A_278, %get3A_25 : vector<16xf32>
        %parallel_loop3A_280 = arith.addf %parallel_loop3A_279, %get3A_41 : vector<16xf32>
        %parallel_loop3A_281 = arith.index_cast %and3A_98 : i32 to index
        %parallel_loop3A_282 = arith.index_cast %parallel_loop3A_182 : i32 to index
        %parallel_loop3A_283 = arith.constant 112 : index
        %parallel_loop3A_284 = tpu.vector_load %arg12[%parallel_loop3A_281, %parallel_loop3A_282, %parallel_loop3A_283] {strides = array<i32>} : memref<2x128x128xf32, #tpu.memory_space<vmem>>, vector<16xf32>,
        tpu.vector_store %arg12[%parallel_loop3A_281, %parallel_loop3A_282, %parallel_loop3A_283], %parallel_loop3A_280 {strides = array<i32>} : memref<2x128x128xf32, #tpu.memory_space<vmem>>, vector<16xf32>,
      } {sc.loop_unroll_factor = 4 : i64, sc.parallel_access}
      %dma_start3A_167 = arith.constant 0 : i32
      %dma_start3A_168 = arith.constant 0 : i32
      %dma_start3A_169 = tpu.memref_slice %arg12[%and3A_98, %dma_start3A_167, %dma_start3A_168] : memref<2x128x128xf32, #tpu.memory_space<vmem>> -> memref<1x128x128xf32, #tpu.memory_space<vmem>>
      %dma_start3A_170 = tpu.memref_squeeze %dma_start3A_169 : memref<1x128x128xf32, #tpu.memory_space<vmem>> -> memref<128x128xf32, #tpu.memory_space<vmem>>
      %dma_start3A_171 = arith.constant 0 : i32
      %dma_start3A_172 = tpu.memref_slice %arg9[%add3A_121, %dma_start3A_171] : memref<204800x128xf32, #tpu.memory_space<hbm>> -> memref<128x128xf32, #tpu.memory_space<hbm>>
      %dma_start3A_173 = tpu.memref_slice %arg21[%and3A_98] : memref<2x!tpu.dma_semaphore, #tpu.memory_space<semaphore_mem>> -> memref<1x!tpu.dma_semaphore, #tpu.memory_space<semaphore_mem>>
      %dma_start3A_174 = tpu.memref_squeeze %dma_start3A_173 : memref<1x!tpu.dma_semaphore, #tpu.memory_space<semaphore_mem>> -> memref<!tpu.dma_semaphore, #tpu.memory_space<semaphore_mem>>
      %dma_start3A_175 = arith.constant 0 : i32
      %dma_start3A_176 = tpu.memref_slice %arg9[%add3A_121, %dma_start3A_175] : memref<204800x128xf32, #tpu.memory_space<hbm>> -> memref<128x128xf32, #tpu.memory_space<hbm>>
      %dma_start3A_177 = arith.constant 0 : i32
      %dma_start3A_178 = arith.constant 0 : i32
      %dma_start3A_179 = tpu.memref_slice %arg12[%and3A_98, %dma_start3A_177, %dma_start3A_178] : memref<2x128x128xf32, #tpu.memory_space<vmem>> -> memref<1x128x128xf32, #tpu.memory_space<vmem>>
      %dma_start3A_180 = tpu.memref_squeeze %dma_start3A_179 : memref<1x128x128xf32, #tpu.memory_space<vmem>> -> memref<128x128xf32, #tpu.memory_space<vmem>>
      tpu.enqueue_dma source(%dma_start3A_180 : memref<128x128xf32, #tpu.memory_space<vmem>>) target(%dma_start3A_176 : memref<128x128xf32, #tpu.memory_space<hbm>>) target_semaphore(%dma_start3A_174 : memref<!tpu.dma_semaphore, #tpu.memory_space<semaphore_mem>>)
      %scan3A_181 = arith.constant 0 : i32
      scf.yield %scan3A_181 : i32
    }
    %scan3A_60 = arith.constant 50 : i32
    %dma_wait3A = arith.constant 0 : i32
    %dma_wait3A_61 = arith.constant 0 : i32
    %dma_wait3A_62 = arith.constant 0 : i32
    %dma_wait3A_63 = arith.constant 0 : i32
    %dma_wait3A_64 = tpu.memref_slice %arg12[%dma_wait3A, %dma_wait3A_62, %dma_wait3A_63] : memref<2x128x128xf32, #tpu.memory_space<vmem>> -> memref<1x128x128xf32, #tpu.memory_space<vmem>>
    %dma_wait3A_65 = tpu.memref_squeeze %dma_wait3A_64 : memref<1x128x128xf32, #tpu.memory_space<vmem>> -> memref<128x128xf32, #tpu.memory_space<vmem>>
    %dma_wait3A_66 = arith.constant 0 : i32
    %dma_wait3A_67 = arith.constant 0 : i32
    %dma_wait3A_68 = tpu.memref_slice %arg9[%dma_wait3A_66, %dma_wait3A_67] : memref<204800x128xf32, #tpu.memory_space<hbm>> -> memref<128x128xf32, #tpu.memory_space<hbm>>
    %dma_wait3A_69 = tpu.memref_slice %arg21[%dma_wait3A_61] : memref<2x!tpu.dma_semaphore, #tpu.memory_space<semaphore_mem>> -> memref<1x!tpu.dma_semaphore, #tpu.memory_space<semaphore_mem>>
    %dma_wait3A_70 = tpu.memref_squeeze %dma_wait3A_69 : memref<1x!tpu.dma_semaphore, #tpu.memory_space<semaphore_mem>> -> memref<!tpu.dma_semaphore, #tpu.memory_space<semaphore_mem>>
    %dma_wait3A_71 = arith.constant 0 : i32
    %dma_wait3A_72 = arith.constant 0 : i32
    %dma_wait3A_73 = tpu.memref_slice %arg9[%dma_wait3A_71, %dma_wait3A_72] : memref<204800x128xf32, #tpu.memory_space<hbm>> -> memref<128x128xf32, #tpu.memory_space<hbm>>
    %dma_wait3A_74 = arith.constant 0 : i32
    %dma_wait3A_75 = arith.constant 0 : i32
    %dma_wait3A_76 = tpu.memref_slice %arg12[%dma_wait3A, %dma_wait3A_74, %dma_wait3A_75] : memref<2x128x128xf32, #tpu.memory_space<vmem>> -> memref<1x128x128xf32, #tpu.memory_space<vmem>>
    %dma_wait3A_77 = tpu.memref_squeeze %dma_wait3A_76 : memref<1x128x128xf32, #tpu.memory_space<vmem>> -> memref<128x128xf32, #tpu.memory_space<vmem>>
    tpu.wait_dma2 semaphore(%dma_wait3A_70 : memref<!tpu.dma_semaphore, #tpu.memory_space<semaphore_mem>>) src(%dma_wait3A_77 : memref<128x128xf32, #tpu.memory_space<vmem>>) dst(%dma_wait3A_73 : memref<128x128xf32, #tpu.memory_space<hbm>>)
    %dma_wait3A_78 = arith.constant 1 : i32
    %dma_wait3A_79 = arith.constant 1 : i32
    %dma_wait3A_80 = arith.constant 0 : i32
    %dma_wait3A_81 = arith.constant 0 : i32
    %dma_wait3A_82 = tpu.memref_slice %arg12[%dma_wait3A_78, %dma_wait3A_80, %dma_wait3A_81] : memref<2x128x128xf32, #tpu.memory_space<vmem>> -> memref<1x128x128xf32, #tpu.memory_space<vmem>>
    %dma_wait3A_83 = tpu.memref_squeeze %dma_wait3A_82 : memref<1x128x128xf32, #tpu.memory_space<vmem>> -> memref<128x128xf32, #tpu.memory_space<vmem>>
    %dma_wait3A_84 = arith.constant 0 : i32
    %dma_wait3A_85 = arith.constant 0 : i32
    %dma_wait3A_86 = tpu.memref_slice %arg9[%dma_wait3A_84, %dma_wait3A_85] : memref<204800x128xf32, #tpu.memory_space<hbm>> -> memref<128x128xf32, #tpu.memory_space<hbm>>
    %dma_wait3A_87 = tpu.memref_slice %arg21[%dma_wait3A_79] : memref<2x!tpu.dma_semaphore, #tpu.memory_space<semaphore_mem>> -> memref<1x!tpu.dma_semaphore, #tpu.memory_space<semaphore_mem>>
    %dma_wait3A_88 = tpu.memref_squeeze %dma_wait3A_87 : memref<1x!tpu.dma_semaphore, #tpu.memory_space<semaphore_mem>> -> memref<!tpu.dma_semaphore, #tpu.memory_space<semaphore_mem>>
    %dma_wait3A_89 = arith.constant 0 : i32
    %dma_wait3A_90 = arith.constant 0 : i32
    %dma_wait3A_91 = tpu.memref_slice %arg9[%dma_wait3A_89, %dma_wait3A_90] : memref<204800x128xf32, #tpu.memory_space<hbm>> -> memref<128x128xf32, #tpu.memory_space<hbm>>
    %dma_wait3A_92 = arith.constant 0 : i32
    %dma_wait3A_93 = arith.constant 0 : i32
    %dma_wait3A_94 = tpu.memref_slice %arg12[%dma_wait3A_78, %dma_wait3A_92, %dma_wait3A_93] : memref<2x128x128xf32, #tpu.memory_space<vmem>> -> memref<1x128x128xf32, #tpu.memory_space<vmem>>
    %dma_wait3A_95 = tpu.memref_squeeze %dma_wait3A_94 : memref<1x128x128xf32, #tpu.memory_space<vmem>> -> memref<128x128xf32, #tpu.memory_space<vmem>>
    tpu.wait_dma2 semaphore(%dma_wait3A_88 : memref<!tpu.dma_semaphore, #tpu.memory_space<semaphore_mem>>) src(%dma_wait3A_95 : memref<128x128xf32, #tpu.memory_space<vmem>>) dst(%dma_wait3A_91 : memref<128x128xf32, #tpu.memory_space<hbm>>)
    return
  }
}

</mosaic_0001>

<sc_bundles>
// kernel: kernel.3.cloned.1.call-start
scs
__scs_entry_jumppad:
0x0: {  	(pc) =	sbr.rel $0x88, $3  }
0x1: {  	(tag) =	ssettag $0x0;
	lr =	simm.s32 $0x1  }
0x2: {  	[smem:$0x3F9A] =	sst lr;
	_ =	strace $0xD0000000  }
0x3: {  	_ = 	snop  }
0x4: {  	_ = 	snop  }
0x5: {  	_ = 	snop  }
0x6: {  	_ = 	snop  }
0x7: {  	_ = 	snop  }
__scs_overlays_trampoline_lowered:
0x8: {  	[smem:$0x3FA9] =	sst s0  }
0x9: {  	[smem:$0x3FAA] =	sst s1  }
0xa: {  	[smem:$0x3FAB] =	sst s2  }
0xb: {  	[smem:$0x3FAC] =	sst s3  }
0xc: {  	[smem:$0x3FAD] =	sst s4  }
0xd: {  	[smem:$0x3FAE] =	sst s5  }
0xe: {  	[smem:$0x3FAF] =	sst s6  }
0xf: {  	[smem:$0x3FB0] =	sst s7  }
0x10: {  	[smem:$0x3FB1] =	sst s8  }
0x11: {  	[smem:$0x3FB2] =	sst s9;
	s0 =	simm.s32 @!p0 $0x0  }
0x12: {  	s1 =	sld [smem:$0x3F98];
	s0 =	simm.s32 @p0 $0x1  }
0x13: {  	[smem:$0x3FB3] =	sst s0;
	s0 =	simm.s32 @!p1 $0x0  }
0x14: {  	s2 =	sld [smem:$0x3F97];
	s0 =	simm.s32 @p1 $0x1  }
0x15: {  	[smem:$0x3FB4] =	sst s0;
	s0 =	simm.s32 @!p2 $0x0  }
0x16: {  	s3 =	sld [smem:$0x3FDB];
	s0 =	simm.s32 @p2 $0x1  }
0x17: {  	s4 =	simm.s32 $0x1BF5;
	[smem:$0x3FB6] =	sst s0  }
0x18: {  	s0 =	sld [smem:$0x3F99];
	_ =	swait.ge [sflag:s4], $0x0  }
0x19: {  	s7 =	sld [smem:$0x3F9A]  }
0x1a: {  	s8 =	sadd.s32 $0xFFFFE003, lr  }
0x1b: {  	s9 =	sadd.s32 $0xFFFFFEF7, lr;
	s5 =	simm.s32 $0xFFFFFFFF;
	p2 =	slt.u32 s8, $0xFFFFF086  }
0x1c: {  	p1 =	slt.u32 s9, $0xF7A;
	s5 =	simm.s32 @!p2 $0x0  }
0x1d: {  	s5 =	simm.s32 @p1 $0x1;
	p0 =	seq.s32 s7, s2  }
0x1e: {  	s7 =	smul.u32 @!p0 $0xF7A, s2;
	p2 =	seq.s32 @!p0 s5, $0x0  }
0x1f: {  	s9 =	smul.u32 $0xF7A, s1;
	s8 =	simm.s32 @!p0 $0x1BF5;
	p2 =	por !p2, p0  }
0x20: {  	[sflag:s8] =	ssyncset.s32 @!p0 $0xFFFFF086;
	s6 =	sadd.s32 @!p0 s3, s7;
	s7 =	simm.s32 @!p0 $0x108  }
0x21: {  	s3 =	sadd.s32 s3, s9;
	s6 =	sadd.s32 @!p0 $0x88, s6;
	s7 =	simm.s32 @p2 $0x1082  }
0x22: {  	[simem:s7], [sflag:s8] =	dma.local @!p0 [hbm:s6], $0xF7A  }
0x23: {  	s9 =	sor.u32 $0xD0000000, s2;
	s6 =	simm.s32 $0x108;
	_ =	swait.ge @!p0 [sflag:s8], $0x0  }
0x24: {  	s3 =	sadd.s32 $0x88, s3;
	s6 =	simm.s32 @!p1 $0x1082;
	[sflag:s4] =	ssyncset.s32 $0xFFFFF086  }
0x25: {  	[simem:s6], [sflag:s4] =	dma.local [hbm:s3], $0xF7A  }
0x26: {  	[smem:$0x3F9A] =	sst s1;
	(tag) =	ssettag s2;
	_ =	strace s9  }
0x27: {  	s1 =	sld [smem:$0x3FAA]  }
0x28: {  	s2 =	sld [smem:$0x3FAB]  }
0x29: {  	s4 =	sld [smem:$0x3FAD]  }
0x2a: {  	p0 =	seq.s32 s5, $0x0;
	s5 =	sld [smem:$0x3FAE]  }
0x2b: {  	s6 =	sld [smem:$0x3FAF]  }
0x2c: {  	s7 =	sld [smem:$0x3FB0]  }
0x2d: {  	s3 =	simm.s32 $0x108;
	s8 =	sld [smem:$0x3FB1]  }
0x2e: {  	s3 =	simm.s32 @!p0 $0x1082;
	s9 =	sld [smem:$0x3FB2]  }
0x2f: {  	lr =	sadd.s32 s0, s3;
	s0 =	sld [smem:$0x3FA9]  }
0x30: {  	s3 =	sld [smem:$0x3FAC]  }
0x31: {  	[smem:$0x3FB5] =	sst s10  }
0x32: {  	s10 =	sld [smem:$0x3FB3];
	_ =	sdelay $0x3  }
0x33: {  	p0 =	seq.s32 s10, $0x1;
	s10 =	sld [smem:$0x3FB5];
	_ =	sdelay $0x3  }
0x34: {  	[smem:$0x3FB5] =	sst s10  }
0x35: {  	s10 =	sld [smem:$0x3FB4];
	_ =	sdelay $0x3  }
0x36: {  	p1 =	seq.s32 s10, $0x1;
	s10 =	sld [smem:$0x3FB5];
	_ =	sdelay $0x3  }
0x37: {  	[smem:$0x3FB5] =	sst s10  }
0x38: {  	s10 =	sld [smem:$0x3FB6]  }
0x39: {  	_ = 	snop;
	(pc) =	sbr.ind lr, $3  }
0x3a: {  	_ = 	snop  }
0x3b: {  	_ = 	snop  }
0x3c: {  	p2 =	seq.s32 s10, $0x1;
	s10 =	sld [smem:$0x3FB5]  }
0x3d: {  	_ =	shalt  }
0x3e: {  	_ =	shalt  }
0x3f: {  	_ =	shalt  }
0x40: {  	_ =	shalt  }
0x41: {  	_ =	shalt  }
0x42: {  	_ =	shalt  }
0x43: {  	_ =	shalt  }
0x44: {  	_ =	shalt  }
0x45: {  	_ =	shalt  }
0x46: {  	_ =	shalt  }
0x47: {  	_ =	shalt  }
0x48: {  	_ =	shalt  }
0x49: {  	_ =	shalt  }
0x4a: {  	_ =	shalt  }
0x4b: {  	_ =	shalt  }
0x4c: {  	_ =	shalt  }
0x4d: {  	_ =	shalt  }
0x4e: {  	_ =	shalt  }
0x4f: {  	_ =	shalt  }
0x50: {  	_ =	shalt  }
0x51: {  	_ =	shalt  }
0x52: {  	_ =	shalt  }
0x53: {  	_ =	shalt  }
0x54: {  	_ =	shalt  }
0x55: {  	_ =	shalt  }
0x56: {  	_ =	shalt  }
0x57: {  	_ =	shalt  }
0x58: {  	_ =	shalt  }
0x59: {  	_ =	shalt  }
0x5a: {  	_ =	shalt  }
0x5b: {  	_ =	shalt  }
0x5c: {  	_ =	shalt  }
0x5d: {  	_ =	shalt  }
0x5e: {  	_ =	shalt  }
0x5f: {  	_ =	shalt  }
0x60: {  	_ =	shalt  }
0x61: {  	_ =	shalt  }
0x62: {  	_ =	shalt  }
0x63: {  	_ =	shalt  }
0x64: {  	_ =	shalt  }
0x65: {  	_ =	shalt  }
0x66: {  	_ =	shalt  }
0x67: {  	_ =	shalt  }
0x68: {  	_ =	shalt  }
0x69: {  	_ =	shalt  }
0x6a: {  	_ =	shalt  }
0x6b: {  	_ =	shalt  }
0x6c: {  	_ =	shalt  }
0x6d: {  	_ =	shalt  }
0x6e: {  	_ =	shalt  }
0x6f: {  	_ =	shalt  }
0x70: {  	_ =	shalt  }
0x71: {  	_ =	shalt  }
0x72: {  	_ =	shalt  }
0x73: {  	_ =	shalt  }
0x74: {  	_ =	shalt  }
0x75: {  	_ =	shalt  }
0x76: {  	_ =	shalt  }
0x77: {  	_ =	shalt  }
0x78: {  	_ =	shalt  }
0x79: {  	_ =	shalt  }
0x7a: {  	_ =	shalt  }
0x7b: {  	_ =	shalt  }
0x7c: {  	_ =	shalt  }
0x7d: {  	_ =	shalt  }
0x7e: {  	_ =	shalt  }
0x7f: {  	_ =	shalt  }
0x80: {  	_ =	shalt  }
0x81: {  	_ =	shalt  }
0x82: {  	_ =	shalt  }
0x83: {  	_ =	shalt  }
0x84: {  	_ =	shalt  }
0x85: {  	_ =	shalt  }
0x86: {  	_ =	shalt  }
0x87: {  	_ =	shalt  }
.Lfunc_end0:
.L_simem_size_0:
called_computation_lowered:
.L_overlay_start_0:
0x88: {  	s2 =	sld [smem:$0x3FD9]  }
0x89: {  	s3 =	sld [smem:$0x3FFE];
	_ =	sdelay $0x1  }
0x8a: {  	s1 =	srdreg.scid  }
0x8b: {  	s0 =	sand.u32 $0x1, s1  }
0x8c: {  	s17 =	sshll.u32 s0, $0xA;
	s2 =	sadd.s32 s3, s2  }
0x8d: {  	s2 =	sadd.s32 s2, s17  }
0x8e: {  	[smem:$0x3FC1] =	sst s2  }
0x8f: {  	_ = 	snop  }
0x90: {  	s2 =	sld [smem:$0x3FC7]  }
0x91: {  	s18 =	sld [smem:$0x3FC6]  }
0x92: {  	s4 =	sld [smem:$0x3FC5]  }
0x93: {  	s5 =	sld [smem:$0x3FC4]  }
0x94: {  	s6 =	sld [smem:$0x3FC3]  }
0x95: {  	s7 =	sld [smem:$0x3FD0];
	(tm) =	ssettm $0x1  }
0x96: {  	s8 =	sld [smem:$0x3FFB];
	_ =	sdelay $0x3  }
0x97: {  	_ =	strace s8  }
0x98: {  	s8 =	sld [smem:$0x3FFC];
	_ =	sdelay $0x3  }
0x99: {  	_ =	strace s8  }
0x9a: {  	s8 =	sld [smem:$0x3FFD];
	_ =	sdelay $0x3  }
0x9b: {  	_ =	strace s8  }
0x9c: {  	_ =	strace $0x8FFFFFFF  }
0x9d: {  	s19 =	sld [smem:$0x3FDB];
	_ =	sdelay $0x1  }
0x9e: {  	s9 =	simm.s32 $_scs_section_size  }
0x9f: {  	s10 =	simm.s32 $_size__tile_overlayer_lowered;
	s11 =	simm.s32 $_tile_overlayer_lowered  }
0xa0: {  	s22 =	simm.s32 $0x1BFF;
	s21 =	sshll.u32 s11, $0x1;
	s8 =	sadd.s32 s9, s19  }
0xa1: {  	s12 =	simm.s32 $0x0;
	s20 =	sshll.u32 s10, $0x1;
	s10 =	sadd.s32 s21, s8  }
0xa2: {  	[timem:s12], [sflag:s22] =	dma.local [hbm:s10], s20  }
0xa3: {  	_ =	swait.ge [sflag:s22], s20  }
0xa4: {  	s9 =	ssub.s32 $0x0, s20;
	[sflag:s22] =	ssyncset.done $0x0  }
0xa5: {  	[sflag:s22] =	ssyncadd.s32 s9;
	_ =	sdelay $0x1  }
0xa6: {  	s23 =	simm.s32 $0x1B8B  }
0xa7: {  	_ =	swait.ge [sflag:s23], $0x1  }
0xa8: {  	[sflag:s23] =	ssyncset.done $0x0  }
0xa9: {  	s25 =	simm.s32 $0x1B8E;
	s24 =	sld [smem:$0x3FFE];
	[sflag:s23] =	ssyncadd.s32 $0xFFFFFFFF  }
0xaa: {  	s26 =	simm.s32 $execute0_lowered;
	[smem:$0x3FD2] =	sst s25  }
0xab: {  	s10 =	sshll.u32 s26, $0x1;
	_ =	strace $0x80000046;
	[dreg:$0x1] =	wrdreg $0xFFFFFFFF  }
0xac: {  	s28 =	simm.s32 $_size_execute0_lowered;
	s8 =	sadd.s32 s8, s10;
	[dreg:$0x0] =	wrdreg $0x0  }
0xad: {  	s10 =	sshll.u32 s28, $0x1;
	[dreg:$0x2] =	wrdreg s8  }
0xae: {  	[dreg:$0x3] =	wrdreg s10  }
0xaf: {  	[dreg:$0x4] =	wrdreg $0xC0  }
0xb0: {  	_ =	task [dreg:s12], $0x5FFFF  }
0xb1: {  	[dreg:$0x1] =	wrdreg $0xFFFFFFFF  }
0xb2: {  	[dreg:$0x0] =	wrdreg $0x60  }
0xb3: {  	[dreg:$0x2] =	wrdreg s24  }
0xb4: {  	[dreg:$0x3] =	wrdreg s2  }
0xb5: {  	[dreg:$0x4] =	wrdreg s18  }
0xb6: {  	[dreg:$0x5] =	wrdreg s4  }
0xb7: {  	[dreg:$0x6] =	wrdreg s5  }
0xb8: {  	[dreg:$0x7] =	wrdreg s6  }
0xb9: {  	[dreg:$0x8] =	wrdreg s7  }
0xba: {  	[dreg:$0x9] =	wrdreg $0x9  }
0xbb: {  	_ =	task.clear_ibuf [dreg:s12], $0xAFFFF;
	_ =	strace $0x90000046  }
0xbc: {  	s29 =	simm.s32 $0x9;
	_ =	strace $0x80000048  }
0xbd: {  	_ =	swait.ge [sflag:s29], $0x1  }
0xbe: {  	[sflag:s29] =	ssyncadd.s32 $0xFFFFFFFF  }
0xbf: {  	_ =	strace $0x90000048  }
0xc0: {  	_ =	sfence  }
0xc1: {  	s30 =	sld [smem:$0x0];
	_ =	sdelay $0x2  }
0xc2: {  	s31 =	sshll.u32 s1, $0xD;
	s1 =	sshrl.u32 s1, $0x2  }
0xc3: {  	s3 =	sand.u32 $0x4000, s31;
	s1 =	sadd.s32 s1, s30  }
0xc4: {  	s0 =	sor.u32 s3, s0;
	s1 =	sshll.u32 s1, $0x11  }
0xc5: {  	s0 =	sor.u32 s1, s0  }
0xc6: {  	s0 =	sadd.s32 $0x8F2B, s0  }
0xc7: {  	[sflag:s0] =	ssyncadd.remote.s32 $0x1  }
0xc8: {  	_ =	sfence.sel $0xFFFF  }
0xc9: {  	[dreg:$0x0] =	wrdreg $0xFFFFFFFF;
	(pc) =	sbr.abs _section_cstart, $3  }
0xca: {  	[dreg:$0x1] =	wrdreg $0xFFFFFFFF  }
0xcb: {  	_ =	task.clear_ibuf [dreg:s12], $0x2FFFF;
	_ =	strace $0x9FFFFFFF  }
0xcc: {  	(tm) =	ssettm $0x7FFFFFFF  }
0xcd: {  	_ =	shalt  }
tec
execute0_lowered:
.L_overlay_start_1:
0x0: {  	(tag) =	ssettag $0x1  }
0x1: {  	s1 =	rddreg [dreg:$0x0]  }
0x2: {  	s0 =	rddreg [dreg:$0x1]  }
0x3: {  	s2 =	rddreg [dreg:$0x2];
	s3 =	srdreg.scid  }
0x4: {  	s6 =	stileid.u32;
	s7 =	rddreg [dreg:$0x6];
	s8 =	simm.s32 $0x0  }
0x5: {  	s14 =	simm.s32 $0x14900;
	s15 =	simm.s32 $0x5;
	s21 =	simm.s32 $0x80  }
0x6: {  	s22 =	simm.s32 $0xC900;
	s23 =	simm.s32 $0x17D00;
	s24 =	simm.s32 $0x17D80  }
0x7: {  	s25 =	simm.s32 $0x17C00;
	s3 =	sand.u32 $0x1, s3;
	s4 =	sshll.u32 s6, $0x1  }
0x8: {  	s26 =	simm.s32 $0x3;
	s6 =	smul.u32 $0x3200, s6;
	s4 =	sor.u32 s3, s4  }
0x9: {  	s28 =	simm.s32 $0x4;
	s29 =	simm.s32 $0x0;
	s9 =	smul.u32 $0x1900, s4  }
0xa: {  	v15 =	vlaneseq.u32;
	[smem:$0x7FF] =	sst s8;
	s5 =	ssub.s32 $0x2, s3;
	s3 =	smul.u32 $0x1900, s3  }
0xb: {  	vm0 =	vcmask $0x3F3C;
	v16 =	vor.u32 $0x10, v15;
	_ =	strace $0x80000047;
	s31 =	sshrl.u32 s5, $0x1;
	s4 =	sshrl.u32 s9, $0x3  }
0xc: {  	v17 =	vor.u32 $0x20, v15;
	v18 =	vor.u32 $0x30, v15;
	v21 =	vor.u32 $0x60, v15;
	s13 =	sadd.s32 s3, s6;
	s1 =	sadd.s32 s4, s1;
	s4 =	ssub.s32 s5, s31  }
0xd: {  	v19 =	vor.u32 $0x40, v15;
	v20 =	vor.u32 $0x50, v15;
	v22 =	vor.u32 $0x70, v15;
	[tilespmem:$0x1FFF0] =	vst v21;
	s10 =	sadd.s32 $0x400, s1;
	s11 =	sadd.s32 $0x6800, s1;
	s12 =	smax.u32 s4, $0x1  }
.LBB2_1:
0xe: {  	[tilespmem:s14], [sflag:$0x5] =	stream.linear.gather [hbm4b:s10+s8], $0x1900, $0x38;
	[tilespmem:$0x17E80] =	vst v63  }
0xf: {  	_ =	swait.ge [sflag:s15], $0x1900  }
0x10: {  	[sflag:s15] =	ssyncset.done $0x0  }
0x11: {  	s1 =	simm.s32 $0x16200;
	[sflag:s15] =	ssyncadd.s32 $0xFFFFE700  }
0x12: {  	[tilespmem:s1], [sflag:$0x5] =	stream.linear.gather [hbm4b:s11+s8], $0x1900, $0x38;
	[tilespmem:$0x17E80] =	vst v63  }
0x13: {  	_ =	swait.ge [sflag:s15], $0x1900  }
0x14: {  	[sflag:s15] =	ssyncset.done $0x0  }
0x15: {  	[sflag:s15] =	ssyncadd.s32 $0xFFFFE700  }
0x16: {  	[tilespmem:s8], [sflag:$0x5] =	stream.linear.gather [hbm4b:s2+s8], $0x6400, $0x38;
	[tilespmem:$0x17E80] =	vst v63  }
0x17: {  	_ =	swait.ge [sflag:s15], $0x6400  }
0x18: {  	[sflag:s15] =	ssyncset.done $0x0  }
0x19: {  	s17 =	simm.s32 $0x6400;
	[sflag:s15] =	ssyncadd.s32 $0xFFFF9C00  }
0x1a: {  	[tilespmem:s17], [sflag:$0x5] =	stream.linear.gather [hbm4b:s2+s8], $0x6400, $0x38;
	[tilespmem:$0x17E80] =	vst v63  }
0x1b: {  	_ =	swait.ge [sflag:s15], $0x6400  }
0x1c: {  	[sflag:s15] =	ssyncset.done $0x0  }
0x1d: {  	[sflag:s15] =	ssyncadd.s32 $0xFFFF9C00  }
0x1e: {  	s3 =	simm.s32 $0xC800;
	s18 =	rddreg [dreg:$0x3]  }
0x1f: {  	[tilespmem:s3], [sflag:$0x5] =	stream.linear.gather [hbm4b:s18+s8], $0x100, $0x38;
	[tilespmem:$0x17E80] =	vst v63  }
0x20: {  	_ =	swait.ge [sflag:s15], $0x100  }
0x21: {  	[sflag:s15] =	ssyncset.done $0x0  }
0x22: {  	[sflag:s15] =	ssyncadd.s32 $0xFFFFFF00  }
0x23: {  	s20 =	simm.s32 $0x17B00;
	s19 =	rddreg [dreg:$0x4]  }
0x24: {  	[tilespmem:s20], [sflag:$0x5] =	stream.linear.gather [hbm4b:s19+s8], $0x80, $0x38;
	[tilespmem:$0x17E80] =	vst v63  }
0x25: {  	_ =	swait.ge [sflag:s15], $0x80  }
0x26: {  	[sflag:s15] =	ssyncset.done $0x0  }
0x27: {  	[sflag:s15] =	ssyncadd.s32 $0xFFFFFF80  }
0x28: {  	s31 =	simm.s32 $0x17B80;
	s30 =	rddreg [dreg:$0x5]  }
0x29: {  	[tilespmem:s31], [sflag:$0x5] =	stream.linear.gather [hbm4b:s30+s8], $0x80, $0x38;
	[tilespmem:$0x17E80] =	vst v63  }
0x2a: {  	_ =	swait.ge [sflag:s15], $0x80  }
0x2b: {  	p0 =	por $0x0, $0x0;
	[sflag:s15] =	ssyncset.done $0x0  }
0x2c: {  	s1 =	simm.s32 $0x40;
	s3 =	simm.s32 $0x80;
	[sflag:s15] =	ssyncadd.s32 $0xFFFFFF80  }
0x2d: {  	s3 =	simm.s32 @!p0 $0x0;
	v0 =	vld [tilespmem:s1+$0xFFFFFFC0]  }
0x2e: {  	v1 =	vld [tilespmem:s3+$0xC800];
	_ =	sdelay $0x4  }
0x2f: {  	v0 =	vadd.f32 v1, v0;
	_ =	sdelay $0x1  }
0x30: {  	[tilespmem:s1+$0xFFFFFFC0] =	vst v0;
	v0 =	vld [tilespmem:s1+$0xFFFFFFD0]  }
0x31: {  	v1 =	vld [tilespmem:s3+$0xC810];
	_ =	sdelay $0x4  }
0x32: {  	v0 =	vadd.f32 v1, v0;
	_ =	sdelay $0x1  }
0x33: {  	[tilespmem:s1+$0xFFFFFFD0] =	vst v0;
	v0 =	vld [tilespmem:s1+$0xFFFFFFE0]  }
0x34: {  	v1 =	vld [tilespmem:s3+$0xC820];
	_ =	sdelay $0x4  }
0x35: {  	v0 =	vadd.f32 v1, v0;
	_ =	sdelay $0x1  }
0x36: {  	[tilespmem:s1+$0xFFFFFFE0] =	vst v0;
	v0 =	vld [tilespmem:s1+$0xFFFFFFF0]  }
0x37: {  	v1 =	vld [tilespmem:s3+$0xC830];
	_ =	sdelay $0x4  }
0x38: {  	v0 =	vadd.f32 v1, v0;
	_ =	sdelay $0x1  }
0x39: {  	[tilespmem:s1+$0xFFFFFFF0] =	vst v0;
	v0 =	vld [tilespmem:s1+$0x0]  }
0x3a: {  	v1 =	vld [tilespmem:s3+$0xC840];
	_ =	sdelay $0x4  }
0x3b: {  	v0 =	vadd.f32 v1, v0;
	_ =	sdelay $0x1  }
0x3c: {  	[tilespmem:s1+$0x0] =	vst v0;
	v0 =	vld [tilespmem:s1+$0x10]  }
0x3d: {  	v1 =	vld [tilespmem:s3+$0xC850];
	_ =	sdelay $0x4  }
0x3e: {  	v0 =	vadd.f32 v1, v0;
	_ =	sdelay $0x1  }
0x3f: {  	[tilespmem:s1+$0x10] =	vst v0;
	v0 =	vld [tilespmem:s1+$0x20]  }
0x40: {  	v1 =	vld [tilespmem:s3+$0xC860];
	_ =	sdelay $0x4  }
0x41: {  	v0 =	vadd.f32 v1, v0;
	_ =	sdelay $0x1  }
0x42: {  	[tilespmem:s1+$0x20] =	vst v0;
	v0 =	vld [tilespmem:s1+$0x30]  }
0x43: {  	v1 =	vld [tilespmem:s3+$0xC870];
	_ =	sdelay $0x4  }
0x44: {  	p1 =	por $0x0, $0x0;
	s4 =	simm.s32 $0x2;
	s3 =	simm.s32 $0xC0;
	v0 =	vadd.f32 v1, v0  }
.LBB2_2:
0x45: {  	s5 =	simm.s32 $0x80  }
0x46: {  	p0 =	sne.s32 s4, $0x18F;
	v1 =	vld [tilespmem:s3+$0xFFFFFFC0];
	[tilespmem:s1+$0x30] =	vst v0;
	s1 =	smov.u32 s3;
	s5 =	simm.s32 @!p1 $0x0  }
0x47: {  	v0 =	vld [tilespmem:s5+$0xC800];
	_ =	sdelay $0x4  }
0x48: {  	v0 =	vadd.f32 v0, v1;
	_ =	sdelay $0x1  }
0x49: {  	[tilespmem:s3+$0xFFFFFFC0] =	vst v0;
	v0 =	vld [tilespmem:s3+$0xFFFFFFD0]  }
0x4a: {  	v1 =	vld [tilespmem:s5+$0xC810];
	_ =	sdelay $0x4  }
0x4b: {  	v0 =	vadd.f32 v1, v0;
	_ =	sdelay $0x1  }
0x4c: {  	[tilespmem:s3+$0xFFFFFFD0] =	vst v0;
	v0 =	vld [tilespmem:s3+$0xFFFFFFE0]  }
0x4d: {  	v1 =	vld [tilespmem:s5+$0xC820];
	_ =	sdelay $0x4  }
0x4e: {  	v0 =	vadd.f32 v1, v0;
	_ =	sdelay $0x1  }
0x4f: {  	[tilespmem:s3+$0xFFFFFFE0] =	vst v0;
	v0 =	vld [tilespmem:s3+$0xFFFFFFF0]  }
0x50: {  	v1 =	vld [tilespmem:s5+$0xC830];
	_ =	sdelay $0x4  }
0x51: {  	v0 =	vadd.f32 v1, v0;
	_ =	sdelay $0x1  }
0x52: {  	[tilespmem:s3+$0xFFFFFFF0] =	vst v0;
	v0 =	vld [tilespmem:s3+$0x0]  }
0x53: {  	v1 =	vld [tilespmem:s5+$0xC840];
	_ =	sdelay $0x4  }
0x54: {  	v0 =	vadd.f32 v1, v0;
	_ =	sdelay $0x1  }
0x55: {  	[tilespmem:s3+$0x0] =	vst v0;
	v0 =	vld [tilespmem:s3+$0x10]  }
0x56: {  	v1 =	vld [tilespmem:s5+$0xC850];
	_ =	sdelay $0x4  }
0x57: {  	v0 =	vadd.f32 v1, v0;
	_ =	sdelay $0x1  }
0x58: {  	[tilespmem:s3+$0x10] =	vst v0;
	v0 =	vld [tilespmem:s3+$0x20]  }
0x59: {  	v1 =	vld [tilespmem:s5+$0xC860];
	_ =	sdelay $0x4  }
0x5a: {  	v0 =	vadd.f32 v1, v0;
	_ =	sdelay $0x1  }
0x5b: {  	[tilespmem:s3+$0x20] =	vst v0;
	v0 =	vld [tilespmem:s3+$0x30]  }
0x5c: {  	v1 =	vld [tilespmem:s5+$0xC870];
	_ =	sdelay $0x1  }
.Ltmp0:
0x5d: {  	(pc) =	sbr.rel @p0 .LBB2_2-.Ltmp0, $3  }
0x5e: {  	_ =	sdelay $0x1  }
0x5f: {  	v0 =	vadd.f32 v1, v0  }
0x60: {  	p1 =	sgt.u32 s4, $0xC7;
	s4 =	sadd.s32 $0x1, s4;
	s3 =	sadd.s32 $0x80, s3  }
0x61: {  	s4 =	simm.s32 $0x80  }
0x62: {  	v1 =	vld [tilespmem:s3+$0xFFFFFFC0];
	[tilespmem:s1+$0x30] =	vst v0;
	s4 =	simm.s32 @!p1 $0x0  }
0x63: {  	v0 =	vld [tilespmem:s4+$0xC800];
	_ =	sdelay $0x4  }
0x64: {  	v0 =	vadd.f32 v0, v1;
	_ =	sdelay $0x1  }
0x65: {  	v50 =	vld [tilespmem:s3+$0xFFFFFFD0];
	[tilespmem:s3+$0xFFFFFFC0] =	vst v0  }
0x66: {  	v51 =	vld [tilespmem:s4+$0xC810];
	_ =	sdelay $0x4  }
0x67: {  	v0 =	vadd.f32 v51, v50;
	_ =	sdelay $0x1  }
0x68: {  	v52 =	vld [tilespmem:s3+$0xFFFFFFE0];
	[tilespmem:s3+$0xFFFFFFD0] =	vst v0  }
0x69: {  	v53 =	vld [tilespmem:s4+$0xC820];
	_ =	sdelay $0x4  }
0x6a: {  	v0 =	vadd.f32 v53, v52;
	_ =	sdelay $0x1  }
0x6b: {  	v54 =	vld [tilespmem:s3+$0xFFFFFFF0];
	[tilespmem:s3+$0xFFFFFFE0] =	vst v0  }
0x6c: {  	v55 =	vld [tilespmem:s4+$0xC830];
	_ =	sdelay $0x4  }
0x6d: {  	v0 =	vadd.f32 v55, v54;
	_ =	sdelay $0x1  }
0x6e: {  	v56 =	vld [tilespmem:s3+$0x0];
	[tilespmem:s3+$0xFFFFFFF0] =	vst v0  }
0x6f: {  	v57 =	vld [tilespmem:s4+$0xC840];
	_ =	sdelay $0x4  }
0x70: {  	v0 =	vadd.f32 v57, v56;
	_ =	sdelay $0x1  }
0x71: {  	v58 =	vld [tilespmem:s3+$0x10];
	[tilespmem:s3+$0x0] =	vst v0  }
0x72: {  	v59 =	vld [tilespmem:s4+$0xC850];
	_ =	sdelay $0x4  }
0x73: {  	v0 =	vadd.f32 v59, v58;
	_ =	sdelay $0x1  }
0x74: {  	v60 =	vld [tilespmem:s3+$0x20];
	[tilespmem:s3+$0x10] =	vst v0  }
0x75: {  	v61 =	vld [tilespmem:s4+$0xC860];
	_ =	sdelay $0x4  }
0x76: {  	v0 =	vadd.f32 v61, v60;
	_ =	sdelay $0x1  }
0x77: {  	v62 =	vld [tilespmem:s3+$0x30];
	[tilespmem:s3+$0x20] =	vst v0  }
0x78: {  	v63 =	vld [tilespmem:s4+$0xC870];
	_ =	sdelay $0x4  }
0x79: {  	v0 =	vadd.f32 v63, v62;
	_ =	sdelay $0x1  }
0x7a: {  	[tilespmem:s3+$0x30] =	vst v0  }
0x7b: {  	v46 =	vld [tilespmem:$0x17B00]  }
0x7c: {  	v47 =	vld [tilespmem:$0x17B10]  }
0x7d: {  	v48 =	vld [tilespmem:$0x17B20]  }
0x7e: {  	v49 =	vld [tilespmem:$0x17B30]  }
0x7f: {  	v50 =	vld [tilespmem:$0x17B40]  }
0x80: {  	v51 =	vld [tilespmem:$0x17B50]  }
0x81: {  	v52 =	vld [tilespmem:$0x17B60]  }
0x82: {  	v53 =	vld [tilespmem:$0x17B70]  }
0x83: {  	v54 =	vld [tilespmem:$0x17B80]  }
0x84: {  	v55 =	vld [tilespmem:$0x17B90]  }
0x85: {  	v56 =	vld [tilespmem:$0x17BA0]  }
0x86: {  	v57 =	vld [tilespmem:$0x17BB0]  }
0x87: {  	v58 =	vld [tilespmem:$0x17BC0]  }
0x88: {  	v59 =	vld [tilespmem:$0x17BD0]  }
0x89: {  	v60 =	vld [tilespmem:$0x17BE0]  }
0x8a: {  	v61 =	vld [tilespmem:$0x17BF0];
	[tilespmem:s22], [sflag:$0x1] =	stream.indirect.gather [hbm4b:s0+s21], $0x80, s14, s21, $0xb8  }
0x8b: {  	[tilespmem:$0x1FEF0] =	vst v46  }
0x8c: {  	[tilespmem:$0x1FF00] =	vst v47  }
0x8d: {  	[tilespmem:$0x1FF10] =	vst v48  }
0x8e: {  	[tilespmem:$0x1FF20] =	vst v49  }
0x8f: {  	[tilespmem:$0x1FF30] =	vst v50  }
0x90: {  	[tilespmem:$0x1FF40] =	vst v51  }
0x91: {  	[tilespmem:$0x1FF50] =	vst v52  }
0x92: {  	[tilespmem:$0x1FF60] =	vst v53  }
0x93: {  	[tilespmem:$0x1FF70] =	vst v54  }
0x94: {  	[tilespmem:$0x1FF80] =	vst v55  }
0x95: {  	[tilespmem:$0x1FF90] =	vst v56  }
0x96: {  	[tilespmem:$0x1FFA0] =	vst v57  }
0x97: {  	[tilespmem:$0x1FFB0] =	vst v58  }
0x98: {  	[tilespmem:$0x1FFC0] =	vst v59  }
0x99: {  	s30 =	simm.s32 $0x16200;
	[tilespmem:$0x1FFD0] =	vst v60  }
0x9a: {  	p0 =	por $0x0, $0x0;
	s31 =	smov.u32 s13;
	s3 =	simm.s32 $0x0;
	[tilespmem:$0x1FFE0] =	vst v61  }
.LBB2_4:
0x9b: {  	p1 =	seq.s32 s3, $0x0  }
.Ltmp1:
0x9c: {  	_ = 	snop;
	(pc) =	sbr.rel @p1 .LBB2_7-.Ltmp1, $3  }
0x9d: {  	_ =	sdelay $0x1  }
0x9e: {  	s1 =	sand.u32 $0x1, s3  }
0x9f: {  	s5 =	sadd.s32 $0x1, s3;
	s4 =	sxor.u32 $0x1, s1  }
0xa0: {  	p1 =	seq.s32 s3, $0x31  }
.Ltmp2:
0xa1: {  	_ = 	snop;
	(pc) =	sbr.rel @p1 .LBB2_8-.Ltmp2, $1  }
0xa2: {  	_ =	sdelay $0x3  }
0xa3: {  	s6 =	sadd.s32 $0x3, s4  }
0xa4: {  	_ =	swait.ge [sflag:s6], $0x4000  }
0xa5: {  	[sflag:s6] =	ssyncset.done $0x0  }
0xa6: {  	[sflag:s6] =	ssyncadd.s32 $0xFFFFC000  }
.LBB2_7:
0xa7: {  	s6 =	sshll.u32 s5, $0x7  }
0xa8: {  	s16 =	sshll.u32 s4, $0xE;
	s6 =	sand.u32 $0x3FFFFF80, s6  }
0xa9: {  	s20 =	sadd.s32 $0x1, s4;
	s16 =	sadd.s32 $0xC900, s16;
	s6 =	sadd.s32 $0x14900, s6  }
0xaa: {  	[tilespmem:s16], [sflag:s20] =	stream.indirect.gather [hbm4b:s0+s21], $0x80, s6, s21, $0xb8;
	[tilespmem:$0x17E80] =	vst v63  }
.LBB2_8:
0xab: {  	v0 =	vmov s30  }
0xac: {  	s6 =	sadd.s32 $0x1, s1  }
0xad: {  	_ =	swait.ge [sflag:s6], $0x4000  }
0xae: {  	[sflag:s6] =	ssyncset.done $0x0  }
0xaf: {  	s17 =	simm.s32 $0x0;
	[sflag:s6] =	ssyncadd.s32 $0xFFFFC000  }
0xb0: {  	v2 =	vor.u32 s31, v15;
	v1 =	vld.idx.msk [tilespmem:v0+s17+$0x0 ss:$0x1], $0xffff  }
0xb1: {  	v3 =	vmulhi.u32 $0x51EB851F, v2;
	_ =	sdelay $0x1  }
0xb2: {  	v3 =	vshrl.u32 v3, $0x6  }
0xb3: {  	s4 =	simm.s32 $0x1;
	v3 =	vmul.u32 $0xC8, v3  }
0xb4: {  	s4 =	simm.s32 @!p0 $0x0;
	v1 =	vmul.u32 $0xC8, v1  }
0xb5: {  	s16 =	sshll.u32 s3, $0x7;
	s4 =	sshll.u32 s4, $0xE;
	v2 =	vsub.s32 v2, v3  }
0xb6: {  	s3 =	sadd.s32 $0xCA00, s4;
	s4 =	sadd.s32 s9, s16;
	v1 =	vadd.s32 v2, v1  }
0xb7: {  	s6 =	simm.s32 $0x10;
	s16 =	simm.s32 $0x80;
	[tilespmem:s17+$0x17D00] =	vst v1;
	s17 =	smov.u32 s31  }
.LBB2_9:
0xb8: {  	p1 =	seq.s32 s16, $0x1C0;
	v1 =	vld.idx.msk [tilespmem:v0+s6+$0x0 ss:$0x1], $0xffff;
	s17 =	sadd.s32 $0x10, s17  }
0xb9: {  	v2 =	vor.u32 s17, v15  }
0xba: {  	v3 =	vmulhi.u32 $0x51EB851F, v2;
	_ =	sdelay $0x1  }
0xbb: {  	v3 =	vshrl.u32 v3, $0x6  }
.Ltmp3:
0xbc: {  	v3 =	vmul.u32 $0xC8, v3;
	(pc) =	sbr.rel @!p1 .LBB2_9-.Ltmp3, $4  }
0xbd: {  	v1 =	vmul.u32 $0xC8, v1  }
0xbe: {  	v2 =	vsub.s32 v2, v3  }
0xbf: {  	v1 =	vadd.s32 v2, v1  }
0xc0: {  	[tilespmem:s6+$0x17D00] =	vst v1;
	s6 =	sshra.s32 s16, $0x2;
	s16 =	sadd.s32 $0x40, s16  }
0xc1: {  	_ =	sdelay $0x2  }
0xc2: {  	s16 =	sadd.s32 $0x10, s17  }
0xc3: {  	v0 =	vld.idx.msk [tilespmem:v0+s6+$0x0 ss:$0x1], $0xffff;
	v1 =	vor.u32 s16, v15  }
0xc4: {  	v2 =	vmulhi.u32 $0x51EB851F, v1;
	_ =	sdelay $0x1  }
0xc5: {  	s17 =	simm.s32 $0x0;
	v2 =	vshrl.u32 v2, $0x6  }
0xc6: {  	s18 =	simm.s32 $0x1;
	v55 =	vmov s17;
	v2 =	vmul.u32 $0xC8, v2  }
0xc7: {  	s19 =	simm.s32 $0x2;
	s20 =	simm.s32 $0x3;
	v37 =	vmov s18;
	v0 =	vmul.u32 $0xC8, v0  }
0xc8: {  	v36 =	vmov s19;
	v3 =	vmov s20;
	v1 =	vsub.s32 v1, v2  }
0xc9: {  	[tilespmem:$0x1FEE0] =	vst v3;
	v0 =	vadd.s32 v1, v0  }
0xca: {  	[tilespmem:s6+$0x17D00] =	vst v0  }
0xcb: {  	v0 =	vld.idx.msk [tilespmem:v55+s23+$0x0], $0xffff  }
0xcc: {  	v1 =	vld.idx.msk [tilespmem:v37+s23+$0x0], $0xffff  }
0xcd: {  	v2 =	vld.idx.msk [tilespmem:v36+s23+$0x0], $0xffff  }
0xce: {  	v3 =	vld.idx.msk [tilespmem:v3+s23+$0x0], $0xffff;
	_ =	sdelay $0x1  }
0xcf: {  	v28 =	vshll.u32 v0, $0x7  }
0xd0: {  	v4 =	vld [tilespmem:s3+$0xFFFFFF00];
	v32 =	vshll.u32 v1, $0x7;
	v0 =	vor.u32 v15, v28  }
0xd1: {  	v7 =	vld [tilespmem:s3+$0xFFFFFF80];
	v38 =	vshll.u32 v2, $0x7;
	v1 =	vor.u32 v15, v32  }
0xd2: {  	v11 =	vld [tilespmem:s3+$0x10];
	v40 =	vshll.u32 v3, $0x7;
	v5 =	vor.u32 v15, v38  }
0xd3: {  	v2 =	vld [tilespmem:s3+$0x80];
	v6 =	vor.u32 v15, v40  }
0xd4: {  	v3 =	vld [tilespmem:s3+$0x0]  }
0xd5: {  	v0 =	vld.idx.msk [tilespmem:v0+s8+$0x0], $0xffff  }
0xd6: {  	v1 =	vld.idx.msk [tilespmem:v1+s8+$0x0], $0xffff  }
0xd7: {  	v5 =	vld.idx.msk [tilespmem:v5+s8+$0x0], $0xffff  }
0xd8: {  	v8 =	vor.u32 v16, v28;
	v6 =	vld.idx.msk [tilespmem:v6+s8+$0x0], $0xffff  }
0xd9: {  	v13 =	vld [tilespmem:s3+$0xFFFFFF10];
	v9 =	vor.u32 v16, v32  }
0xda: {  	v24 =	vld [tilespmem:s3+$0xFFFFFFA0];
	v10 =	vor.u32 v16, v38;
	v4 =	vadd.f32 v0, v4  }
0xdb: {  	v35 =	vld [tilespmem:s3+$0xFFFFFFF0];
	v12 =	vor.u32 v16, v40;
	v7 =	vadd.f32 v1, v7  }
0xdc: {  	v0 =	vld [tilespmem:s3+$0xFFFFFF90];
	v1 =	vadd.f32 v5, v3;
	[tilespmem:s3+$0xFFFFFF00] =	vst v4  }
0xdd: {  	v29 =	vadd.f32 v6, v2;
	[tilespmem:s3+$0xFFFFFF80] =	vst v7;
	v3 =	vld.idx.msk [tilespmem:v8+s8+$0x0], $0xffff  }
0xde: {  	[tilespmem:s3+$0x0] =	vst v1;
	v2 =	vld.idx.msk [tilespmem:v9+s8+$0x0], $0xffff  }
0xdf: {  	[tilespmem:s3+$0x80] =	vst v29;
	v5 =	vld.idx.msk [tilespmem:v10+s8+$0x0], $0xffff  }
0xe0: {  	v6 =	vld.idx.msk [tilespmem:v12+s8+$0x0], $0xffff  }
0xe1: {  	v8 =	vor.u32 v17, v28;
	v9 =	vld [tilespmem:s3+$0x90]  }
0xe2: {  	v31 =	vld [tilespmem:s3+$0xFFFFFF30];
	v10 =	vor.u32 v17, v32  }
0xe3: {  	v39 =	vld [tilespmem:s3+$0xF0];
	v3 =	vadd.f32 v3, v13;
	v13 =	vor.u32 v17, v38  }
0xe4: {  	v12 =	vld [tilespmem:s3+$0xFFFFFF20];
	v14 =	vadd.f32 v2, v0;
	v2 =	vor.u32 v17, v40  }
0xe5: {  	v0 =	vld [tilespmem:s3+$0x20];
	v5 =	vadd.f32 v5, v11;
	[tilespmem:s3+$0xFFFFFF10] =	vst v3  }
0xe6: {  	v30 =	vadd.f32 v6, v9;
	[tilespmem:s3+$0xFFFFFF90] =	vst v14;
	v8 =	vld.idx.msk [tilespmem:v8+s8+$0x0], $0xffff  }
0xe7: {  	[tilespmem:s3+$0x10] =	vst v5;
	v6 =	vld.idx.msk [tilespmem:v10+s8+$0x0], $0xffff  }
0xe8: {  	[tilespmem:s3+$0x90] =	vst v30;
	v9 =	vld.idx.msk [tilespmem:v13+s8+$0x0], $0xffff  }
0xe9: {  	v10 =	vld.idx.msk [tilespmem:v2+s8+$0x0], $0xffff  }
0xea: {  	v11 =	vor.u32 v18, v28;
	v13 =	vld [tilespmem:s3+$0xA0]  }
0xeb: {  	v43 =	vld [tilespmem:s3+$0xFFFFFF40];
	v25 =	vor.u32 v18, v32  }
0xec: {  	v47 =	vld [tilespmem:s3+$0xC0];
	v26 =	vor.u32 v18, v38;
	v8 =	vadd.f32 v8, v12  }
0xed: {  	v27 =	vor.u32 v18, v40;
	v12 =	vld [tilespmem:s3+$0xFFFFFFB0];
	v6 =	vadd.f32 v6, v24  }
0xee: {  	v24 =	vld [tilespmem:s3+$0x30];
	[tilespmem:s3+$0xFFFFFF20] =	vst v8;
	v2 =	vadd.f32 v9, v0  }
0xef: {  	[tilespmem:s3+$0xFFFFFFA0] =	vst v6;
	v9 =	vadd.f32 v10, v13;
	v0 =	vld.idx.msk [tilespmem:v11+s8+$0x0], $0xffff  }
0xf0: {  	v10 =	vld.idx.msk [tilespmem:v25+s8+$0x0], $0xffff;
	[tilespmem:s3+$0x20] =	vst v2  }
0xf1: {  	[tilespmem:s3+$0xA0] =	vst v9;
	v11 =	vld.idx.msk [tilespmem:v26+s8+$0x0], $0xffff  }
0xf2: {  	v13 =	vld.idx.msk [tilespmem:v27+s8+$0x0], $0xffff  }
0xf3: {  	v25 =	vor.u32 v19, v28;
	v26 =	vld [tilespmem:s3+$0xB0]  }
0xf4: {  	v49 =	vld [tilespmem:s3+$0x50];
	v41 =	vor.u32 v19, v38;
	v27 =	vor.u32 v19, v32  }
0xf5: {  	v52 =	vld [tilespmem:s3+$0xFFFFFF50];
	v42 =	vor.u32 v19, v40;
	v46 =	vor.u32 v20, v28;
	v34 =	vadd.f32 v0, v31  }
0xf6: {  	v50 =	vor.u32 v20, v38;
	v51 =	vor.u32 v20, v40;
	v31 =	vld [tilespmem:s3+$0x40];
	v10 =	vadd.f32 v10, v12  }
0xf7: {  	v53 =	vor.u32 v21, v28;
	v59 =	vor.u32 v21, v38;
	v12 =	vld [tilespmem:s3+$0xFFFFFFC0];
	[tilespmem:s3+$0xFFFFFF30] =	vst v34;
	v44 =	vadd.f32 v11, v24  }
0xf8: {  	v62 =	vadd.f32 $0.0e+00, v4;
	v4 =	vmul.f32 v4, v4;
	[tilespmem:s3+$0xFFFFFFB0] =	vst v10;
	v0 =	vadd.f32 v13, v26;
	v11 =	vld.idx.msk [tilespmem:v25+s8+$0x0], $0xffff  }
0xf9: {  	v45 =	vmul.f32 v3, v3;
	v48 =	vmul.f32 v30, v30;
	v13 =	vld.idx.msk [tilespmem:v27+s8+$0x0], $0xffff;
	[tilespmem:s3+$0x30] =	vst v44  }
0xfa: {  	v60 =	vadd.f32 $0.0e+00, v1;
	v26 =	vmul.f32 v14, v14;
	v25 =	vmul.f32 v7, v7;
	[tilespmem:s3+$0xB0] =	vst v0;
	v24 =	vld.idx.msk [tilespmem:v41+s8+$0x0], $0xffff  }
0xfb: {  	v3 =	vadd.f32 v3, v62;
	v62 =	vadd.f32 $0.0e+00, v29;
	v29 =	vmul.f32 v29, v29;
	v27 =	vld.idx.msk [tilespmem:v42+s8+$0x0], $0xffff  }
0xfc: {  	v54 =	vld [tilespmem:s3+$0xD0];
	v4 =	vadd.f32 v45, v4;
	v25 =	vadd.f32 v26, v25;
	v26 =	vor.u32 v20, v32  }
0xfd: {  	v56 =	vld [tilespmem:s3+$0xFFFFFF70];
	v1 =	vmul.f32 v1, v1;
	v30 =	vadd.f32 v30, v62;
	v11 =	vadd.f32 v11, v43  }
0xfe: {  	v58 =	vld [tilespmem:s3+$0xE0];
	v38 =	vor.u32 v22, v38;
	v48 =	vadd.f32 v48, v29;
	v12 =	vadd.f32 v13, v12  }
0xff: {  	s18 =	simm.s32 $0x5;
	v63 =	vmul.f32 v8, v8;
	v3 =	vadd.f32 v8, v3;
	v8 =	vmul.f32 v5, v5;
	v13 =	vld [tilespmem:s3+$0xFFFFFFD0];
	[tilespmem:s3+$0xFFFFFF40] =	vst v11  }
0x100: {  	v23 =	vmov s18;
	v42 =	vadd.f32 v24, v31;
	[tilespmem:s3+$0xFFFFFFC0] =	vst v12;
	v43 =	vadd.f32 v27, v47;
	v31 =	vld.idx.msk [tilespmem:v46+s8+$0x0], $0xffff  }
0x101: {  	s17 =	simm.s32 $0x4;
	v5 =	vadd.f32 v5, v60;
	v28 =	vor.u32 v22, v28;
	v4 =	vadd.f32 v63, v4;
	v27 =	vld.idx.msk [tilespmem:v26+s8+$0x0], $0xffff  }
0x102: {  	v61 =	vld [tilespmem:s3+$0xFFFFFF60];
	v45 =	vmul.f32 v2, v2;
	v7 =	vadd.f32 $0.0e+00, v7;
	v26 =	vmov s17;
	[tilespmem:s3+$0xC0] =	vst v43  }
0x103: {  	v1 =	vadd.f32 v8, v1;
	v2 =	vadd.f32 v2, v5;
	v24 =	vmul.f32 v6, v6;
	v33 =	vld.idx.msk [tilespmem:v51+s8+$0x0], $0xffff  }
0x104: {  	v62 =	vmul.f32 v34, v34;
	v41 =	vld [tilespmem:s3+$0x70];
	v7 =	vadd.f32 v14, v7;
	v14 =	vor.u32 v21, v32;
	[tilespmem:s3+$0x40] =	vst v42  }
0x105: {  	s19 =	simm.s32 $0x6;
	v24 =	vadd.f32 v24, v25;
	v25 =	vmul.f32 v10, v10;
	v47 =	vld.idx.msk [tilespmem:v50+s8+$0x0], $0xffff;
	v52 =	vadd.f32 v31, v52  }
0x106: {  	s20 =	simm.s32 $0x7;
	v6 =	vadd.f32 v6, v7;
	v7 =	vadd.f32 v27, v13;
	v13 =	vld [tilespmem:s3+$0xFFFFFFE0];
	v27 =	vmov s19  }
0x107: {  	v3 =	vadd.f32 v34, v3;
	v31 =	vadd.f32 v25, v24;
	v24 =	vmov s20;
	v8 =	vld.idx.msk [tilespmem:v26+s23+$0x0], $0xffff;
	[tilespmem:s3+$0xFFFFFF50] =	vst v52  }
0x108: {  	v6 =	vadd.f32 v10, v6;
	[tilespmem:s3+$0xFFFFFFD0] =	vst v7;
	v50 =	vadd.f32 v33, v54;
	v10 =	vld.idx.msk [tilespmem:v53+s8+$0x0], $0xffff  }
0x109: {  	v57 =	vmul.f32 v0, v0;
	v4 =	vadd.f32 v62, v4;
	v14 =	vld.idx.msk [tilespmem:v14+s8+$0x0], $0xffff;
	[tilespmem:$0x1FEC0] =	vst v23  }
0x10a: {  	v2 =	vadd.f32 v44, v2;
	v6 =	vadd.f32 v12, v6;
	v54 =	vld.idx.msk [tilespmem:v23+s23+$0x0], $0xffff;
	[tilespmem:s3+$0xD0] =	vst v50  }
0x10b: {  	v12 =	vmul.f32 v12, v12;
	v47 =	vadd.f32 v47, v49;
	v49 =	vld.idx.msk [tilespmem:v27+s23+$0x0], $0xffff;
	[tilespmem:$0x1FED0] =	vst v24  }
0x10c: {  	s16 =	sshll.u32 s1, $0xE;
	v32 =	vor.u32 v22, v32;
	v33 =	vadd.f32 v45, v1;
	v53 =	vor.u32 v21, v40;
	v45 =	vld.idx.msk [tilespmem:v24+s23+$0x0], $0xffff  }
0x10d: {  	s6 =	sadd.s32 $0xC900, s16;
	s16 =	sadd.s32 $0x200, s3;
	v60 =	vmul.f32 v11, v11;
	v12 =	vadd.f32 v12, v31;
	v31 =	vshll.u32 v8, $0x7;
	v8 =	vld [tilespmem:s3+$0x60]  }
0x10e: {  	v3 =	vadd.f32 v11, v3;
	v46 =	vmul.f32 v9, v9;
	v9 =	vadd.f32 v9, v30;
	[tilespmem:s3+$0x50] =	vst v47;
	v11 =	vld [tilespmem:s16+$0x0]  }
0x10f: {  	v63 =	vmul.f32 v43, v43;
	v4 =	vadd.f32 v60, v4;
	v2 =	vadd.f32 v42, v2;
	v59 =	vld.idx.msk [tilespmem:v59+s8+$0x0], $0xffff  }
0x110: {  	v51 =	vmul.f32 v44, v44;
	v5 =	vor.u32 v15, v31;
	v44 =	vld [tilespmem:s16+$0xFFFFFF80];
	v29 =	vshll.u32 v54, $0x7  }
0x111: {  	v3 =	vadd.f32 v52, v3;
	v10 =	vadd.f32 v10, v61;
	v53 =	vld.idx.msk [tilespmem:v53+s8+$0x0], $0xffff;
	v34 =	vor.u32 v15, v29  }
0x112: {  	v40 =	vor.u32 v22, v40;
	v13 =	vadd.f32 v14, v13;
	v14 =	vld [tilespmem:s16+$0xFFFFFF00];
	v30 =	vshll.u32 v49, $0x7  }
0x113: {  	v60 =	vmul.f32 v47, v47;
	v33 =	vadd.f32 v51, v33;
	[tilespmem:s3+$0xFFFFFF60] =	vst v10;
	v49 =	vld [tilespmem:s16+$0x80];
	v62 =	vor.u32 v15, v30  }
0x114: {  	v2 =	vadd.f32 v47, v2;
	v61 =	vmul.f32 v42, v42;
	v54 =	vld.idx.msk [tilespmem:v28+s8+$0x0], $0xffff;
	v8 =	vadd.f32 v59, v8  }
0x115: {  	v3 =	vadd.f32 v10, v3;
	v28 =	vshll.u32 v45, $0x7;
	v45 =	vadd.f32 v46, v48;
	v5 =	vld.idx.msk [tilespmem:v5+s8+$0x0], $0xffff  }
0x116: {  	v33 =	vadd.f32 v61, v33;
	v53 =	vadd.f32 v53, v58;
	[tilespmem:s3+$0x60] =	vst v8;
	v34 =	vld.idx.msk [tilespmem:v34+s8+$0x0], $0xffff  }
0x117: {  	v48 =	vmul.f32 v52, v52;
	v46 =	vor.u32 v15, v28;
	v45 =	vadd.f32 v57, v45;
	v38 =	vld.idx.msk [tilespmem:v38+s8+$0x0], $0xffff  }
0x118: {  	v52 =	vmul.f32 v10, v10;
	v10 =	vor.u32 v16, v31;
	[tilespmem:s3+$0xE0] =	vst v53;
	v59 =	vld.idx.msk [tilespmem:v62+s8+$0x0], $0xffff  }
0x119: {  	v33 =	vadd.f32 v60, v33;
	v51 =	vmul.f32 v8, v8;
	v45 =	vadd.f32 v63, v45;
	v40 =	vld.idx.msk [tilespmem:v40+s8+$0x0], $0xffff  }
0x11a: {  	[tilespmem:s3+$0xFFFFFFE0] =	vst v13;
	v58 =	vmul.f32 v50, v50;
	v5 =	vadd.f32 v5, v14;
	v62 =	vadd.f32 v54, v56;
	v54 =	vld [tilespmem:s16+$0xFFFFFF90]  }
0x11b: {  	v4 =	vadd.f32 v48, v4;
	v33 =	vadd.f32 v51, v33;
	v51 =	vld.idx.msk [tilespmem:v32+s8+$0x0], $0xffff  }
0x11c: {  	v48 =	vmul.f32 v53, v53;
	v46 =	vld.idx.msk [tilespmem:v46+s8+$0x0], $0xffff;
	v45 =	vadd.f32 v58, v45;
	[tilespmem:s16+$0xFFFFFF00] =	vst v5  }
0x11d: {  	v0 =	vadd.f32 v0, v9;
	v14 =	vor.u32 v16, v29;
	v10 =	vld.idx.msk [tilespmem:v10+s8+$0x0], $0xffff  }
0x11e: {  	v2 =	vadd.f32 v8, v2;
	v56 =	vor.u32 v16, v30;
	v45 =	vadd.f32 v48, v45;
	v48 =	vld [tilespmem:s16+$0xFFFFFFA0]  }
0x11f: {  	v1 =	vor.u32 v16, v28;
	v4 =	vadd.f32 v52, v4;
	v52 =	vadd.f32 v34, v44;
	v44 =	vld [tilespmem:s16+$0x10]  }
0x120: {  	v41 =	vadd.f32 v38, v41;
	v24 =	vadd.f32 v59, v11;
	v11 =	vld [tilespmem:s16+$0xFFFFFF10]  }
0x121: {  	v0 =	vadd.f32 v43, v0;
	v43 =	vmul.f32 v62, v62;
	[tilespmem:s16+$0xFFFFFF80] =	vst v52;
	v23 =	vadd.f32 v46, v49;
	v49 =	vld [tilespmem:s16+$0x90]  }
0x122: {  	v6 =	vadd.f32 v7, v6;
	v2 =	vadd.f32 v41, v2;
	v14 =	vld.idx.msk [tilespmem:v14+s8+$0x0], $0xffff;
	[tilespmem:s16+$0x0] =	vst v24  }
0x123: {  	v4 =	vadd.f32 v43, v4;
	v46 =	vor.u32 v17, v31;
	v61 =	vld.idx.msk [tilespmem:v56+s8+$0x0], $0xffff;
	[tilespmem:s16+$0x80] =	vst v23  }
0x124: {  	v7 =	vmul.f32 v7, v7;
	(xrf2) =	vadd.scan.msk.f32 $0xffff, v2;
	v2 =	vadd.f32 v62, v3;
	v1 =	vld.idx.msk [tilespmem:v1+s8+$0x0], $0xffff  }
0x125: {  	v0 =	vadd.f32 v50, v0;
	v50 =	vor.u32 v17, v29;
	(xrf2) =	vadd.scan.msk.f32 $0xffff, v4;
	v10 =	vadd.f32 v10, v11;
	v11 =	vld [tilespmem:s16+$0xFFFFFF20]  }
0x126: {  	v32 =	vor.u32 v17, v30;
	(xrf2) =	vadd.scan.msk.f32 $0xffff, v2;
	v2 =	vld [tilespmem:s16+$0xFFFFFFB0]  }
0x127: {  	v7 =	vadd.f32 v7, v12;
	v34 =	vor.u32 v17, v28;
	v54 =	vadd.f32 v14, v54;
	v14 =	vld [tilespmem:s16+$0x20];
	[tilespmem:s16+$0xFFFFFF10] =	vst v10  }
0x128: {  	v6 =	vadd.f32 v13, v6;
	v13 =	vmul.f32 v13, v13;
	v63 =	vadd.f32 v61, v44;
	v8 =	vld.idx.msk [tilespmem:v46+s8+$0x0], $0xffff  }
0x129: {  	v12 =	vor.u32 v18, v30;
	v0 =	vadd.f32 v53, v0;
	v61 =	vld [tilespmem:s16+$0xA0];
	[tilespmem:s16+$0xFFFFFF90] =	vst v54;
	v38 =	vadd.f32 v1, v49  }
0x12a: {  	v57 =	vadd.f32 v40, v39;
	v49 =	vmul.f32 v41, v41;
	v60 =	vld.idx.msk [tilespmem:v50+s8+$0x0], $0xffff;
	[tilespmem:s16+$0x10] =	vst v63  }
0x12b: {  	v3 =	vor.u32 v18, v31;
	v4 =	vor.u32 v18, v29;
	v40 =	vld.idx.msk [tilespmem:v32+s8+$0x0], $0xffff;
	[tilespmem:s16+$0x90] =	vst v38  }
0x12c: {  	v53 =	vmul.f32 v10, v10;
	v1 =	vadd.f32 $0.0e+00, v5;
	v44 =	vadd.f32 v49, v33;
	v33 =	vld.idx.msk [tilespmem:v34+s8+$0x0], $0xffff  }
0x12d: {  	v5 =	vmul.f32 v5, v5;
	v50 =	vld [tilespmem:s16+$0x30];
	v8 =	vadd.f32 v8, v11;
	v11 =	vadd.f32 v51, v35  }
0x12e: {  	v7 =	vadd.f32 v13, v7;
	[tilespmem:s3+$0xFFFFFF70] =	vst v62;
	v59 =	vor.u32 v18, v28;
	v56 =	vmul.f32 v52, v52;
	v32 =	vld [tilespmem:s16+$0xFFFFFFF0]  }
0x12f: {  	v5 =	vadd.f32 v53, v5;
	v9 =	vadd.f32 v60, v48;
	[tilespmem:s16+$0xFFFFFF20] =	vst v8;
	v13 =	vmul.f32 v11, v11;
	v60 =	vld [tilespmem:s16+$0xFFFFFF30]  }
0x130: {  	v6 =	vadd.f32 v11, v6;
	[tilespmem:s3+$0xFFFFFFF0] =	vst v11;
	v40 =	vadd.f32 v40, v14;
	v3 =	vld.idx.msk [tilespmem:v3+s8+$0x0], $0xffff  }
0x131: {  	[tilespmem:s16+$0xFFFFFFA0] =	vst v9;
	v42 =	vadd.f32 v33, v61;
	v7 =	vadd.f32 v13, v7;
	v13 =	vld [tilespmem:s16+$0xB0]  }
0x132: {  	v58 =	vmul.f32 v54, v54;
	v1 =	vadd.f32 v10, v1;
	(xrf2) =	vadd.scan.msk.f32 $0xffff, v6;
	v4 =	vld.idx.msk [tilespmem:v4+s8+$0x0], $0xffff;
	[tilespmem:s16+$0x20] =	vst v40  }
0x133: {  	v10 =	vor.u32 v19, v31;
	v11 =	vmul.f32 v8, v8;
	v61, _, _ =	vpop (xrf2);
	v6 =	vld.idx.msk [tilespmem:v12+s8+$0x0], $0xffff;
	[tilespmem:s16+$0xA0] =	vst v42;
	(xrf2) =	vadd.scan.msk.f32 $0xffff, v7  }
0x134: {  	[tilespmem:s3+$0x70] =	vst v41;
	v0 =	vadd.f32 v57, v0;
	v14 =	vadd.f32 v58, v56;
	v56, _, _ =	vpop (xrf2);
	v7 =	vld.idx.msk [tilespmem:v59+s8+$0x0], $0xffff  }
0x135: {  	v43 =	vmul.f32 v57, v57;
	[tilespmem:s3+$0xF0] =	vst v57;
	v53 =	vld [tilespmem:s16+$0x40];
	v48 =	vadd.f32 v11, v5;
	v5, _, _ =	vpop (xrf2);
	v49 =	vadd.f32 v3, v60  }
0x136: {  	v62 =	vor.u32 v19, v29;
	v39 =	vmul.f32 v38, v38;
	v33 =	vld [tilespmem:s16+$0xF0];
	[tilespmem:v55+s24+$0x0] =	vst.idx.msk vm0, v5  }
0x137: {  	v12 =	vadd.f32 v43, v45;
	(xrf2) =	vadd.scan.msk.f32 $0xffff, v0;
	v0 =	vor.u32 v19, v30;
	v5 =	vld [tilespmem:s16+$0xFFFFFF40];
	[tilespmem:s16+$0xFFFFFF30] =	vst v49  }
0x138: {  	v3 =	vmul.f32 v9, v9;
	v35 =	vadd.f32 v4, v2;
	v46 =	vadd.f32 v6, v50;
	v6 =	vld.idx.msk [tilespmem:v10+s8+$0x0], $0xffff  }
0x139: {  	[tilespmem:v36+s24+$0x0] =	vst.idx.msk vm0, v61;
	v45 =	vld [tilespmem:s16+$0xFFFFFF50];
	v2 =	vor.u32 v19, v28;
	v41 =	vadd.f32 v7, v13;
	v7 =	vor.u32 $0x80, v37  }
0x13a: {  	v57 =	vor.u32 $0x80, v55;
	v51 =	vmul.f32 v40, v40;
	v47 =	vmul.f32 v42, v42;
	v4 =	vld [tilespmem:s16+$0xFFFFFFC0];
	[tilespmem:s16+$0xFFFFFFB0] =	vst v35  }
0x13b: {  	(xrf2) =	vadd.scan.msk.f32 $0xffff, v44;
	v60 =	vor.u32 v21, v30;
	v3 =	vadd.f32 v3, v14;
	v11 =	vld.idx.msk [tilespmem:v62+s8+$0x0], $0xffff;
	[tilespmem:s16+$0x30] =	vst v46  }
0x13c: {  	v34 =	vadd.f32 $0.0e+00, v24;
	v50 =	vadd.f32 v8, v1;
	v10 =	vmul.f32 v35, v35;
	v1 =	vld.idx.msk [tilespmem:v0+s8+$0x0], $0xffff;
	[tilespmem:s16+$0xB0] =	vst v41;
	v0, _, _ =	vpop (xrf2)  }
0x13d: {  	(xrf2) =	vadd.scan.msk.f32 $0xffff, v12;
	v12 =	vor.u32 v20, v29;
	v13 =	vld [tilespmem:s16+$0xC0];
	[tilespmem:v37+s24+$0x0] =	vst.idx.msk vm0, v0;
	v0, _, _ =	vpop (xrf2);
	v59 =	vadd.f32 v6, v5  }
0x13e: {  	v8 =	vor.u32 v20, v31;
	v58 =	vadd.f32 v10, v3;
	v10 =	vld.idx.msk [tilespmem:v2+s8+$0x0], $0xffff;
	[tilespmem:v7+s24+$0x0] =	vst.idx.msk vm0, v0  }
0x13f: {  	v14 =	vor.u32 $0x80, v36;
	v62 =	vmul.f32 v63, v63;
	v43 =	vmul.f32 v46, v46;
	v37 =	vld [tilespmem:s16+$0x70];
	[tilespmem:s16+$0xFFFFFF40] =	vst v59  }
0x140: {  	v63 =	vadd.f32 v63, v34;
	v44 =	vmul.f32 v41, v41;
	v6 =	vor.u32 v20, v30;
	v15 =	vld [tilespmem:$0x1FEE0]  }
0x141: {  	v2 =	vld [tilespmem:s16+$0x50];
	v7 =	vadd.f32 $0.0e+00, v52;
	v3 =	vadd.f32 v11, v4;
	v11 =	vor.u32 v20, v28  }
0x142: {  	v25 =	vmov v22;
	v4 =	vld [tilespmem:s16+$0xFFFFFFD0];
	v61 =	vmul.f32 v59, v59;
	v52 =	vadd.f32 v1, v53;
	[tilespmem:v57+s24+$0x0] =	vst.idx.msk vm0, v56  }
0x143: {  	v22 =	vmov v19;
	v8 =	vld.idx.msk [tilespmem:v8+s8+$0x0], $0xffff;
	[tilespmem:s16+$0xFFFFFFC0] =	vst v3;
	v53 =	vadd.f32 v10, v13;
	v10 =	vadd.f32 v54, v7  }
0x144: {  	v0 =	vor.u32 v21, v28;
	v5, _, _ =	vpop (xrf2);
	v57 =	vld [tilespmem:s16+$0xFFFFFF70];
	v56 =	vmul.f32 v23, v23;
	v1 =	vmul.f32 v3, v3;
	[tilespmem:s16+$0x40] =	vst v52  }
0x145: {  	v19 =	vmov v16;
	v7 =	vld.idx.msk [tilespmem:v12+s8+$0x0], $0xffff;
	v54 =	vmul.f32 v52, v52;
	v12, _, _ =	vpop (xrf2);
	[tilespmem:s16+$0xC0] =	vst v53;
	v13 =	vadd.f32 v9, v10  }
0x146: {  	v6 =	vld.idx.msk [tilespmem:v6+s8+$0x0], $0xffff;
	v55 =	vmul.f32 v53, v53;
	[tilespmem:v14+s24+$0x0] =	vst.idx.msk vm0, v12;
	v14 =	vmul.f32 v24, v24  }
0x147: {  	v9 =	vadd.f32 $0.0e+00, v23;
	v23 =	vmovc v20;
	v20 =	vmovc v17;
	v10 =	vld.idx.msk [tilespmem:v11+s8+$0x0], $0xffff;
	v11 =	vor.u32 v21, v31;
	v36 =	vor.u32 $0x80, v15  }
0x148: {  	s18 =	simm.s32 $0x8;
	s17 =	smov.u32 s16;
	v12 =	vld [tilespmem:s16+$0xD0];
	v24 =	vmov v18;
	v13 =	vadd.f32 v35, v13;
	v35, _, _ =	vpop (xrf2);
	[tilespmem:v15+s24+$0x0] =	vst.idx.msk vm0, v5;
	v5 =	vor.u32 v21, v29  }
.LBB2_11:
0x149: {  	v14 =	vadd.f32 v62, v14  }
0x14a: {  	v34 =	vmov s18;
	v15 =	vld [tilespmem:s16+$0xFFFFFF60];
	v8 =	vadd.f32 v8, v45  }
0x14b: {  	s19 =	sadd.s32 $0x1, s18;
	s20 =	smov.u32 s18;
	v62 =	vld [tilespmem:s16+$0xE0];
	v14 =	vadd.f32 v51, v14;
	v51 =	vadd.f32 v39, v56  }
0x14c: {  	[tilespmem:v36+s24+$0x0] =	vst.idx.msk vm0, v35;
	v45 =	vmov s19;
	s19 =	sadd.s32 $0x2, s20;
	v39 =	vadd.f32 v1, v58;
	v58 =	vadd.f32 v49, v50;
	v50 =	vld [tilespmem:s16+$0x60]  }
0x14d: {  	s20 =	sadd.s32 $0x3, s20;
	v4 =	vadd.f32 v7, v4;
	v7 =	vld [tilespmem:s16+$0xFFFFFFE0];
	v36 =	vmov s19;
	[tilespmem:s16+$0xFFFFFF50] =	vst v8  }
0x14e: {  	v3 =	vadd.f32 v3, v13;
	v2 =	vadd.f32 v6, v2;
	v35 =	vmov s20;
	v6 =	vld.idx.msk [tilespmem:v11+s8+$0x0], $0xffff  }
0x14f: {  	v9 =	vadd.f32 v38, v9;
	[tilespmem:s16+$0xFFFFFFD0] =	vst v4;
	v11 =	vmul.f32 v49, v49;
	v16 =	vld.idx.msk [tilespmem:v34+s23+$0x0], $0xffff  }
0x150: {  	v1 =	vadd.f32 v40, v63;
	v10 =	vadd.f32 v10, v12;
	v5 =	vld.idx.msk [tilespmem:v5+s8+$0x0], $0xffff  }
0x151: {  	[tilespmem:s16+$0x50] =	vst v2;
	v17 =	vld.idx.msk [tilespmem:v45+s23+$0x0], $0xffff;
	v11 =	vadd.f32 v11, v48;
	v48 =	vor.u32 v25, v31  }
0x152: {  	v9 =	vadd.f32 v42, v9;
	v47 =	vadd.f32 v47, v51;
	[tilespmem:s16+$0xD0] =	vst v10;
	v56 =	vld.idx.msk [tilespmem:v36+s23+$0x0], $0xffff  }
0x153: {  	v1 =	vadd.f32 v46, v1;
	v42 =	vld.idx.msk [tilespmem:v35+s23+$0x0], $0xffff;
	v6 =	vadd.f32 v6, v15  }
0x154: {  	v13 =	vmul.f32 v8, v8;
	v9 =	vadd.f32 v41, v9;
	v14 =	vadd.f32 v43, v14;
	v15 =	vld.idx.msk [tilespmem:v0+s8+$0x0], $0xffff  }
0x155: {  	v18 =	vlaneseq.u32;
	v3 =	vadd.f32 v4, v3;
	v5 =	vadd.f32 v5, v7;
	v7 =	vld.idx.msk [tilespmem:v60+s8+$0x0], $0xffff;
	[tilespmem:s16+$0xFFFFFF60] =	vst v6  }
0x156: {  	v12 =	vmul.f32 v2, v2;
	v49 =	vor.u32 v25, v30;
	v4 =	vmul.f32 v4, v4;
	s16 =	sadd.s32 $0x200, s16;
	v48 =	vld.idx.msk [tilespmem:v48+s8+$0x0], $0xffff  }
0x157: {  	v9 =	vadd.f32 v53, v9;
	v14 =	vadd.f32 v54, v14;
	v30 =	vshll.u32 v56, $0x7;
	v56 =	vld [tilespmem:s16+$0x80]  }
0x158: {  	v4 =	vadd.f32 v4, v39;
	v31 =	vshll.u32 v16, $0x7;
	v16 =	vadd.f32 v59, v58;
	v58 =	vld [tilespmem:s16+$0xFFFFFF00]  }
0x159: {  	v9 =	vadd.f32 v10, v9;
	v12 =	vadd.f32 v12, v14;
	v51 =	vor.u32 v18, v31;
	v46 =	vld [tilespmem:s16+$0x0]  }
0x15a: {  	v11 =	vadd.f32 v61, v11;
	v17 =	vshll.u32 v17, $0x7;
	v8 =	vadd.f32 v8, v16;
	v16 =	vld [tilespmem:s16+$0xFFFFFF80]  }
0x15b: {  	[tilespmem:s17+$0xFFFFFFE0] =	vst v5;
	v0 =	vadd.f32 v5, v3;
	v3 =	vor.u32 v18, v17;
	v14 =	vld [tilespmem:s16+$0xFFFFFF10];
	v5 =	vmul.f32 v5, v5  }
0x15c: {  	v11 =	vadd.f32 v13, v11;
	v13 =	vor.u32 v25, v28;
	v15 =	vadd.f32 v15, v62;
	v62 =	vld [tilespmem:s16+$0xFFFFFF90]  }
0x15d: {  	v42 =	vshll.u32 v42, $0x7;
	v59 =	vor.u32 v18, v30;
	v4 =	vadd.f32 v5, v4;
	v5 =	vld [tilespmem:s16+$0xA0]  }
0x15e: {  	v40 =	vmul.f32 v6, v6;
	v60 =	vor.u32 v18, v42;
	v6 =	vadd.f32 v6, v8;
	v63 =	vld.idx.msk [tilespmem:v51+s8+$0x0], $0xffff  }
0x15f: {  	v7 =	vadd.f32 v7, v50;
	[tilespmem:s17+$0xE0] =	vst v15;
	v8 =	vmul.f32 v15, v15;
	v9 =	vadd.f32 v15, v9;
	v15 =	vld [tilespmem:s16+$0xFFFFFF20]  }
0x160: {  	v1 =	vadd.f32 v52, v1;
	v3 =	vld.idx.msk [tilespmem:v3+s8+$0x0], $0xffff  }
0x161: {  	v43 =	vor.u32 v19, v31;
	v11 =	vadd.f32 v40, v11;
	[tilespmem:s17+$0x60] =	vst v7;
	v13 =	vld.idx.msk [tilespmem:v13+s8+$0x0], $0xffff  }
0x162: {  	v40 =	vor.u32 v25, v29;
	v29 =	vadd.f32 v44, v47;
	v48 =	vadd.f32 v48, v57;
	v51 =	vld.idx.msk [tilespmem:v59+s8+$0x0], $0xffff  }
0x163: {  	v28 =	vmov v42;
	v44 =	vor.u32 v19, v17;
	v41 =	vld.idx.msk [tilespmem:v60+s8+$0x0], $0xffff;
	v42 =	vadd.f32 v63, v58  }
0x164: {  	v38 =	vmul.f32 v10, v10;
	v60 =	vld.idx.msk [tilespmem:v49+s8+$0x0], $0xffff;
	[tilespmem:s17+$0xFFFFFF70] =	vst v48  }
0x165: {  	v1 =	vadd.f32 v2, v1;
	v63 =	vor.u32 v19, v30;
	v52 =	vadd.f32 v3, v16;
	v3 =	vld [tilespmem:s16+$0x10];
	[tilespmem:s16+$0xFFFFFF00] =	vst v42  }
0x166: {  	v10 =	vor.u32 v19, v28;
	v61 =	vadd.f32 v55, v29;
	v29 =	vmov v17;
	v17 =	vld.idx.msk [tilespmem:v43+s8+$0x0], $0xffff  }
0x167: {  	v55 =	vor.u32 v24, v28;
	v57 =	vadd.f32 v51, v46;
	v43 =	vld [tilespmem:s16+$0x90];
	[tilespmem:s16+$0xFFFFFF80] =	vst v52  }
0x168: {  	v50 =	vmul.f32 v7, v7;
	v1 =	vadd.f32 v7, v1;
	v56 =	vadd.f32 v41, v56;
	v49 =	vld.idx.msk [tilespmem:v44+s8+$0x0], $0xffff  }
0x169: {  	v7 =	vor.u32 v20, v31;
	v37 =	vadd.f32 v60, v37;
	[tilespmem:s16+$0x0] =	vst v57;
	v40 =	vld.idx.msk [tilespmem:v40+s8+$0x0], $0xffff  }
0x16a: {  	v12 =	vadd.f32 v50, v12;
	v16 =	vadd.f32 v38, v61;
	[tilespmem:s16+$0x80] =	vst v56;
	v2 =	vld.idx.msk [tilespmem:v63+s8+$0x0], $0xffff  }
0x16b: {  	v13 =	vadd.f32 v13, v33;
	v51 =	vor.u32 v20, v29;
	v50 =	vmul.f32 v37, v37;
	v10 =	vld.idx.msk [tilespmem:v10+s8+$0x0], $0xffff  }
0x16c: {  	v59 =	vmul.f32 v48, v48;
	v1 =	vadd.f32 v37, v1;
	[tilespmem:s17+$0x70] =	vst v37;
	v37 =	vld [tilespmem:s16+$0x20];
	v14 =	vadd.f32 v17, v14  }
0x16d: {  	[tilespmem:s17+$0xF0] =	vst v13;
	v12 =	vadd.f32 v50, v12;
	v50 =	vld [tilespmem:s16+$0xFFFFFFA0];
	v17 =	vor.u32 v20, v30;
	v54 =	vadd.f32 v49, v62  }
0x16e: {  	v6 =	vadd.f32 v48, v6;
	v58 =	vor.u32 v20, v28;
	v53 =	vmul.f32 v42, v42;
	v33 =	vld [tilespmem:s16+$0xF0];
	[tilespmem:s16+$0xFFFFFF10] =	vst v14  }
0x16f: {  	v8 =	vadd.f32 v8, v16;
	v63 =	vadd.f32 v2, v3;
	v3 =	vld.idx.msk [tilespmem:v7+s8+$0x0], $0xffff;
	[tilespmem:s16+$0xFFFFFF90] =	vst v54  }
0x170: {  	v41 =	vmul.f32 v52, v52;
	v2 =	vadd.f32 v59, v11;
	v38 =	vadd.f32 v10, v43;
	v10 =	vld.idx.msk [tilespmem:v51+s8+$0x0], $0xffff  }
0x171: {  	v16 =	vadd.f32 $0.0e+00, v42;
	(xrf2) =	vadd.scan.msk.f32 $0xffff, v1;
	v1 =	vmul.f32 v14, v14;
	v59 =	vld [tilespmem:s16+$0xFFFFFF30];
	[tilespmem:s16+$0x10] =	vst v63  }
0x172: {  	[tilespmem:s16+$0x90] =	vst v38;
	(xrf2) =	vadd.scan.msk.f32 $0xffff, v2;
	v2 =	vor.u32 v24, v31;
	v11 =	vld.idx.msk [tilespmem:v17+s8+$0x0], $0xffff;
	v17 =	vadd.f32 v40, v32  }
0x173: {  	v14 =	vadd.f32 v14, v16;
	v16 =	vor.u32 v24, v29;
	v51 =	vld.idx.msk [tilespmem:v58+s8+$0x0], $0xffff;
	(xrf2) =	vadd.scan.msk.f32 $0xffff, v6  }
0x174: {  	v6 =	vld [tilespmem:s16+$0xFFFFFFB0];
	[tilespmem:s17+$0xFFFFFFF0] =	vst v17;
	v0 =	vadd.f32 v17, v0;
	v17 =	vmul.f32 v17, v17;
	v3 =	vadd.f32 v3, v15  }
0x175: {  	v7 =	vmul.f32 v54, v54;
	v15 =	vor.u32 v24, v30;
	v32 =	vld [tilespmem:s16+$0xFFFFFFF0];
	v10 =	vadd.f32 v10, v50  }
0x176: {  	v1 =	vadd.f32 v1, v53;
	v4 =	vadd.f32 v17, v4;
	v17 =	vld [tilespmem:s16+$0x30];
	[tilespmem:s16+$0xFFFFFF20] =	vst v3;
	v58 =	vmul.f32 v3, v3  }
0x177: {  	v7 =	vadd.f32 v7, v41;
	(xrf2) =	vadd.scan.msk.f32 $0xffff, v0;
	v40 =	vadd.f32 v11, v37;
	v2 =	vld.idx.msk [tilespmem:v2+s8+$0x0], $0xffff;
	[tilespmem:s16+$0xFFFFFFA0] =	vst v10  }
0x178: {  	v42 =	vadd.f32 v51, v5;
	v11 =	vmul.f32 v10, v10;
	v48 =	vadd.f32 v58, v1;
	v1 =	vld.idx.msk [tilespmem:v16+s8+$0x0], $0xffff  }
0x179: {  	[tilespmem:s16+$0x20] =	vst v40;
	v16 =	vld [tilespmem:$0x1FEC0]  }
0x17a: {  	v49 =	vmul.f32 v13, v13;
	[tilespmem:s16+$0xA0] =	vst v42;
	v5 =	vadd.f32 v11, v7;
	v7 =	vld.idx.msk [tilespmem:v15+s8+$0x0], $0xffff  }
0x17b: {  	v50 =	vadd.f32 v3, v14;
	v0, _, _ =	vpop (xrf2);
	(xrf2) =	vadd.scan.msk.f32 $0xffff, v4;
	v4 =	vor.u32 v22, v31;
	v3 =	vld.idx.msk [tilespmem:v55+s8+$0x0], $0xffff  }
0x17c: {  	[tilespmem:v27+s24+$0x0] =	vst.idx.msk vm0, v0;
	v0 =	vadd.f32 v13, v9;
	v9 =	vld [tilespmem:s16+$0xB0];
	v11 =	vor.u32 v22, v29;
	v13, _, _ =	vpop (xrf2)  }
0x17d: {  	v8 =	vadd.f32 v49, v8;
	v14 =	vld [tilespmem:s16+$0x40];
	v49 =	vadd.f32 v2, v59;
	v2, _, _ =	vpop (xrf2)  }
0x17e: {  	(xrf2) =	vadd.scan.msk.f32 $0xffff, v0;
	v0 =	vor.u32 v22, v30;
	[tilespmem:v26+s24+$0x0] =	vst.idx.msk vm0, v2;
	v15 =	vadd.f32 v1, v6;
	v1 =	vld [tilespmem:s16+$0xFFFFFFC0]  }
0x17f: {  	[tilespmem:s16+$0xFFFFFF30] =	vst v49;
	v2 =	vld [tilespmem:s16+$0xFFFFFF40];
	v46 =	vadd.f32 v7, v17  }
0x180: {  	v6 =	vor.u32 v22, v28;
	v4 =	vld.idx.msk [tilespmem:v4+s8+$0x0], $0xffff;
	[tilespmem:s16+$0xFFFFFFB0] =	vst v15  }
0x181: {  	v41 =	vadd.f32 v3, v9;
	v3 =	vor.u32 $0x80, v16;
	v17 =	vmul.f32 v15, v15;
	v9, _, _ =	vpop (xrf2);
	v11 =	vld.idx.msk [tilespmem:v11+s8+$0x0], $0xffff;
	[tilespmem:s16+$0x30] =	vst v46  }
0x182: {  	v18 =	vor.u32 $0x80, v27;
	v60 =	vor.u32 v21, v30;
	[tilespmem:v16+s24+$0x0] =	vst.idx.msk vm0, v9;
	v16 =	vor.u32 $0x80, v26;
	v26 =	vld [tilespmem:$0x1FED0]  }
0x183: {  	v39 =	vmul.f32 v38, v38;
	v62 =	vmul.f32 v63, v63;
	v58 =	vadd.f32 v17, v5;
	v5 =	vld.idx.msk [tilespmem:v0+s8+$0x0], $0xffff  }
0x184: {  	v51 =	vmul.f32 v40, v40;
	v47 =	vmul.f32 v42, v42;
	v7 =	vmovc v45;
	(xrf2) =	vadd.scan.msk.f32 $0xffff, v12;
	[tilespmem:s16+$0xB0] =	vst v41;
	v9 =	vld [tilespmem:s16+$0xC0]  }
0x185: {  	[tilespmem:$0x1FEC0] =	vst v7;
	v7 =	vor.u32 v23, v31;
	v0, _, _ =	vpop (xrf2);
	(xrf2) =	vadd.scan.msk.f32 $0xffff, v8;
	v6 =	vld.idx.msk [tilespmem:v6+s8+$0x0], $0xffff;
	v59 =	vadd.f32 v4, v2  }
0x186: {  	v55 =	vadd.f32 $0.0e+00, v52;
	v37 =	vld [tilespmem:s16+$0x70];
	v12 =	vor.u32 v23, v29;
	[tilespmem:v3+s24+$0x0] =	vst.idx.msk vm0, v0;
	v3 =	vadd.f32 v11, v1  }
0x187: {  	v45 =	vld [tilespmem:s16+$0xFFFFFF50];
	v43 =	vmul.f32 v46, v46;
	v44 =	vmul.f32 v41, v41;
	v17 =	vor.u32 v23, v30;
	[tilespmem:s16+$0xFFFFFF40] =	vst v59  }
0x188: {  	v27 =	vmovc v36;
	v2 =	vld [tilespmem:s16+$0x50];
	v0 =	vor.u32 v21, v28;
	v52 =	vadd.f32 v5, v14;
	v14 =	vmov v35;
	[tilespmem:s16+$0xFFFFFFC0] =	vst v3  }
0x189: {  	v4 =	vld [tilespmem:s16+$0xFFFFFFD0];
	v8, _, _ =	vpop (xrf2);
	v11 =	vor.u32 v23, v28;
	v61 =	vmul.f32 v59, v59;
	v5 =	vmov v34;
	[tilespmem:$0x1FED0] =	vst v14  }
0x18a: {  	p1 =	slt.u32 s18, $0x7C;
	v1 =	vmul.f32 v3, v3;
	v53 =	vadd.f32 v6, v9;
	[tilespmem:v26+s24+$0x0] =	vst.idx.msk vm0, v8;
	v8 =	vld.idx.msk [tilespmem:v7+s8+$0x0], $0xffff  }
.Ltmp4:
0x18b: {  	v34 =	vadd.f32 $0.0e+00, v57;
	v9 =	vadd.f32 v54, v55;
	v14 =	vmul.f32 v57, v57;
	v7 =	vld.idx.msk [tilespmem:v12+s8+$0x0], $0xffff;
	[tilespmem:s16+$0x40] =	vst v52;
	(pc) =	sbr.rel @p1 .LBB2_11-.Ltmp4, $4  }
0x18c: {  	v36 =	vor.u32 $0x80, v26;
	v54 =	vmul.f32 v52, v52;
	v26 =	vmov v5;
	[tilespmem:v16+s24+$0x0] =	vst.idx.msk vm0, v13;
	v6 =	vld.idx.msk [tilespmem:v17+s8+$0x0], $0xffff  }
0x18d: {  	v5 =	vor.u32 v21, v29;
	v63 =	vadd.f32 v63, v34;
	[tilespmem:s16+$0xC0] =	vst v53;
	v17 =	vadd.f32 v10, v9;
	v57 =	vld [tilespmem:s16+$0xFFFFFF70]  }
0x18e: {  	v55 =	vmul.f32 v53, v53;
	v12, _, _ =	vpop (xrf2);
	v9 =	vadd.f32 $0.0e+00, v56;
	v56 =	vmul.f32 v56, v56;
	v10 =	vld.idx.msk [tilespmem:v11+s8+$0x0], $0xffff  }
0x18f: {  	s18 =	sadd.s32 $0x4, s18;
	s17 =	smov.u32 s16;
	[tilespmem:v18+s24+$0x0] =	vst.idx.msk vm0, v12;
	v11 =	vor.u32 v21, v31;
	v12 =	vld [tilespmem:s16+$0xD0];
	v13 =	vadd.f32 v15, v17;
	v35, _, _ =	vpop (xrf2)  }
0x190: {  	_ = 	snop  }
0x191: {  	v8 =	vadd.f32 v8, v45;
	_ =	sdelay $0x1  }
0x192: {  	v4 =	vadd.f32 v7, v4;
	v7 =	vld [tilespmem:s16+$0xFFFFFF60];
	v14 =	vadd.f32 v62, v14;
	[tilespmem:s16+$0xFFFFFF50] =	vst v8  }
0x193: {  	v9 =	vadd.f32 v38, v9;
	v16 =	vadd.f32 v39, v56;
	v11 =	vld.idx.msk [tilespmem:v11+s8+$0x0], $0xffff  }
0x194: {  	v1 =	vadd.f32 v1, v58;
	v17 =	vadd.f32 v49, v50  }
0x195: {  	v45 =	vor.u32 v25, v31;
	v31 =	vadd.f32 v40, v63;
	v2 =	vadd.f32 v6, v2  }
0x196: {  	v3 =	vadd.f32 v3, v13;
	v38 =	vadd.f32 v51, v14  }
0x197: {  	v18 =	vld [tilespmem:s16+$0x60];
	v6 =	vmul.f32 v49, v49;
	v9 =	vadd.f32 v42, v9;
	v51 =	vadd.f32 v47, v16;
	[tilespmem:s16+$0x50] =	vst v2  }
0x198: {  	v16 =	vadd.f32 v59, v17;
	v7 =	vadd.f32 v11, v7;
	v11 =	vld.idx.msk [tilespmem:v60+s8+$0x0], $0xffff  }
0x199: {  	v17 =	vadd.f32 v46, v31;
	v6 =	vadd.f32 v6, v48  }
0x19a: {  	v15 =	vld [tilespmem:s16+$0xFFFFFFE0];
	v30 =	vor.u32 v25, v30;
	[tilespmem:s16+$0xFFFFFFD0] =	vst v4;
	v3 =	vadd.f32 v4, v3;
	v10 =	vadd.f32 v10, v12  }
0x19b: {  	v5 =	vld.idx.msk [tilespmem:v5+s8+$0x0], $0xffff;
	v4 =	vmul.f32 v4, v4;
	v56 =	vadd.f32 v8, v16;
	v9 =	vadd.f32 v41, v9  }
0x19c: {  	v8 =	vmul.f32 v8, v8;
	v17 =	vadd.f32 v52, v17;
	v6 =	vadd.f32 v61, v6  }
0x19d: {  	v34 =	vld [tilespmem:s16+$0xE0];
	v16 =	vor.u32 v25, v29;
	v13 =	vadd.f32 v43, v38;
	[tilespmem:s16+$0xD0] =	vst v10;
	v11 =	vadd.f32 v11, v18  }
0x19e: {  	v0 =	vld.idx.msk [tilespmem:v0+s8+$0x0], $0xffff;
	v6 =	vadd.f32 v8, v6;
	[tilespmem:s16+$0xFFFFFF60] =	vst v7;
	v8 =	vmul.f32 v7, v7  }
0x19f: {  	v1 =	vadd.f32 v4, v1;
	v9 =	vadd.f32 v53, v9;
	v14 =	vld.idx.msk [tilespmem:v45+s8+$0x0], $0xffff;
	[tilespmem:s17+$0x60] =	vst v11  }
0x1a0: {  	v58 =	vor.u32 v25, v28;
	v5 =	vadd.f32 v5, v15;
	v6 =	vadd.f32 v8, v6;
	v8 =	vld.idx.msk [tilespmem:v30+s8+$0x0], $0xffff  }
0x1a1: {  	v17 =	vadd.f32 v2, v17;
	v2 =	vmul.f32 v2, v2;
	v13 =	vadd.f32 v54, v13  }
0x1a2: {  	v15 =	vadd.f32 v44, v51;
	v9 =	vadd.f32 v10, v9;
	[tilespmem:s17+$0xFFFFFFE0] =	vst v5  }
0x1a3: {  	v2 =	vadd.f32 v2, v13;
	v16 =	vld.idx.msk [tilespmem:v16+s8+$0x0], $0xffff;
	v0 =	vadd.f32 v0, v34  }
0x1a4: {  	v7 =	vadd.f32 v7, v56;
	v57 =	vadd.f32 v14, v57  }
0x1a5: {  	[tilespmem:s17+$0xE0] =	vst v0;
	v17 =	vadd.f32 v11, v17;
	v8 =	vadd.f32 v8, v37  }
0x1a6: {  	v3 =	vadd.f32 v5, v3;
	v18 =	vmul.f32 v10, v10;
	v14 =	vld.idx.msk [tilespmem:v58+s8+$0x0], $0xffff;
	v10 =	vmul.f32 v57, v57  }
0x1a7: {  	v15 =	vadd.f32 v55, v15;
	v5 =	vmul.f32 v5, v5;
	v60 =	vadd.f32 v8, v17  }
0x1a8: {  	v4 =	vadd.f32 v16, v32;
	v6 =	vadd.f32 v10, v6  }
0x1a9: {  	[tilespmem:v36+s24+$0x0] =	vst.idx.msk vm0, v35;
	v1 =	vadd.f32 v5, v1;
	v7 =	vadd.f32 v57, v7;
	(xrf2) =	vadd.scan.msk.f32 $0xffff, v60  }
0x1aa: {  	v59 =	vadd.f32 v18, v15;
	v5 =	vmul.f32 v4, v4;
	v3 =	vadd.f32 v4, v3;
	(xrf2) =	vadd.scan.msk.f32 $0xffff, v6  }
0x1ab: {  	v10 =	vmul.f32 v0, v0;
	v0 =	vadd.f32 v0, v9;
	v14 =	vadd.f32 v14, v33;
	(xrf2) =	vadd.scan.msk.f32 $0xffff, v7  }
0x1ac: {  	v11 =	vmul.f32 v11, v11;
	[tilespmem:s17+$0xFFFFFF70] =	vst v57;
	v1 =	vadd.f32 v5, v1;
	(xrf2) =	vadd.scan.msk.f32 $0xffff, v3  }
0x1ad: {  	v0 =	vadd.f32 v14, v0;
	v5 =	vmul.f32 v14, v14;
	[tilespmem:s17+$0x70] =	vst v8;
	v3 =	vadd.f32 v10, v59  }
0x1ae: {  	v2 =	vadd.f32 v11, v2;
	[tilespmem:s17+$0xF0] =	vst v14;
	v6 =	vmul.f32 v8, v8;
	(xrf2) =	vadd.scan.msk.f32 $0xffff, v1  }
0x1af: {  	(xrf2) =	vadd.scan.msk.f32 $0xffff, v0;
	v0 =	vadd.f32 v5, v3;
	v5 =	vld [tilespmem:$0x1FEC0]  }
0x1b0: {  	v2 =	vadd.f32 v6, v2;
	_ =	sdelay $0x1  }
0x1b1: {  	(xrf2) =	vadd.scan.msk.f32 $0xffff, v2  }
0x1b2: {  	(xrf2) =	vadd.scan.msk.f32 $0xffff, v0;
	v0, _, _ =	vpop (xrf2)  }
0x1b3: {  	[tilespmem:s17+$0xFFFFFFF0] =	vst v4;
	v2, _, _ =	vpop (xrf2)  }
0x1b4: {  	[tilespmem:v27+s24+$0x0] =	vst.idx.msk vm0, v0;
	v3, _, _ =	vpop (xrf2)  }
0x1b5: {  	v4, _, _ =	vpop (xrf2);
	[tilespmem:v26+s24+$0x0] =	vst.idx.msk vm0, v3  }
0x1b6: {  	[tilespmem:v5+s24+$0x0] =	vst.idx.msk vm0, v4  }
0x1b7: {  	v6 =	vld [tilespmem:$0x1FED0]  }
0x1b8: {  	v1 =	vor.u32 $0x80, v5  }
0x1b9: {  	v3 =	vor.u32 $0x80, v26;
	_ =	sdelay $0x1  }
0x1ba: {  	v0 =	vor.u32 $0x80, v27  }
0x1bb: {  	v4, _, _ =	vpop (xrf2);
	v5 =	vor.u32 $0x80, v6  }
0x1bc: {  	[tilespmem:v1+s24+$0x0] =	vst.idx.msk vm0, v4  }
0x1bd: {  	v1, _, _ =	vpop (xrf2);
	[tilespmem:v3+s24+$0x0] =	vst.idx.msk vm0, v2  }
0x1be: {  	[tilespmem:v6+s24+$0x0] =	vst.idx.msk vm0, v1;
	v1, _, _ =	vpop (xrf2)  }
0x1bf: {  	[tilespmem:v0+s24+$0x0] =	vst.idx.msk vm0, v1;
	v0, _, _ =	vpop (xrf2)  }
0x1c0: {  	[tilespmem:v5+s24+$0x0] =	vst.idx.msk vm0, v0  }
0x1c1: {  	v0 =	vld [tilespmem:$0x17D80];
	_ =	sdelay $0x1  }
0x1c2: {  	v1 =	vld [tilespmem:$0x17E00];
	_ =	sdelay $0x2  }
0x1c3: {  	v2 =	vmul.f32 $7.812500000e-03, v0;
	v0 =	vld [tilespmem:$0x17D90];
	_ =	sdelay $0x1  }
0x1c4: {  	v4 =	vld [tilespmem:$0x17E10];
	v1 =	vmul.f32 $7.812500000e-03, v1;
	v3 =	vmul.f32 v2, v2;
	_ =	sdelay $0x1  }
0x1c5: {  	v1 =	vsub.f32 v1, v3  }
0x1c6: {  	v3 =	vmul.f32 $7.812500000e-03, v0  }
0x1c7: {  	v0 =	vadd.f32 $9.999999960e-13, v1  }
0x1c8: {  	v1 =	vmul.f32 $7.812500000e-03, v4;
	v4 =	vmul.f32 v3, v3  }
0x1c9: {  	v5 =	vshra.s32 v0, $0x1;
	v6 =	vmul.f32 $5.000000000e-01, v0  }
0x1ca: {  	v0 =	vsub.s32 $0x5F3759DF, v5;
	v1 =	vsub.f32 v1, v4  }
0x1cb: {  	v4 =	vmul.f32 v0, v6  }
0x1cc: {  	v1 =	vadd.f32 $9.999999960e-13, v1  }
0x1cd: {  	v5 =	vld [tilespmem:$0x17DA0];
	v4 =	vmul.f32 v0, v4  }
0x1ce: {  	v7 =	vshra.s32 v1, $0x1  }
0x1cf: {  	v8 =	vmul.f32 $5.000000000e-01, v1;
	v1 =	vsub.f32 $1.500000000e+00, v4;
	v4 =	vsub.s32 $0x5F3759DF, v7;
	v7 =	vld [tilespmem:$0x17E20];
	_ =	sdelay $0x1  }
0x1d0: {  	v9 =	vmul.f32 v4, v8;
	v10 =	vmul.f32 v0, v1  }
0x1d1: {  	v1 =	vmul.f32 $7.812500000e-03, v5;
	v5 =	vld [tilespmem:$0x17DB0]  }
0x1d2: {  	v12 =	vld [tilespmem:$0x17E30];
	v0 =	vmul.f32 v4, v9;
	v9 =	vmul.f32 v10, v6  }
0x1d3: {  	v11 =	vmul.f32 v1, v1;
	v7 =	vmul.f32 $7.812500000e-03, v7  }
0x1d4: {  	v0 =	vsub.f32 $1.500000000e+00, v0  }
0x1d5: {  	v9 =	vmul.f32 v9, v10;
	v7 =	vsub.f32 v7, v11  }
0x1d6: {  	v4 =	vmul.f32 v4, v0;
	v0 =	vmul.f32 $7.812500000e-03, v5  }
0x1d7: {  	v14 =	vld [tilespmem:$0x17DC0];
	v11 =	vmul.f32 $7.812500000e-03, v12;
	v5 =	vsub.f32 $1.500000000e+00, v9;
	v7 =	vadd.f32 $9.999999960e-13, v7  }
0x1d8: {  	v9 =	vmul.f32 v4, v8;
	v61 =	vmul.f32 v0, v0  }
0x1d9: {  	v5 =	vmul.f32 v5, v10;
	v10 =	vshra.s32 v7, $0x1;
	v7 =	vmul.f32 $5.000000000e-01, v7  }
0x1da: {  	v9 =	vmul.f32 v9, v4;
	v11 =	vsub.f32 v11, v61;
	v10 =	vsub.s32 $0x5F3759DF, v10  }
0x1db: {  	v6 =	vmul.f32 v5, v6;
	v62 =	vmul.f32 v10, v7  }
0x1dc: {  	v14 =	vmul.f32 $7.812500000e-03, v14;
	v9 =	vsub.f32 $1.500000000e+00, v9;
	v11 =	vadd.f32 $9.999999960e-13, v11  }
0x1dd: {  	v6 =	vmul.f32 v6, v5;
	v12 =	vmul.f32 v10, v62  }
0x1de: {  	v4 =	vmul.f32 v9, v4;
	v9 =	vshra.s32 v11, $0x1;
	v11 =	vmul.f32 $5.000000000e-01, v11  }
0x1df: {  	v6 =	vsub.f32 $1.500000000e+00, v6;
	v9 =	vsub.s32 $0x5F3759DF, v9;
	v12 =	vsub.f32 $1.500000000e+00, v12  }
0x1e0: {  	v32 =	vld [tilespmem:$0x17E40];
	v8 =	vmul.f32 v4, v8;
	v63 =	vmul.f32 v9, v11  }
0x1e1: {  	v34 =	vld [tilespmem:$0x17DD0];
	v5 =	vmul.f32 v6, v5;
	v6 =	vmul.f32 v10, v12  }
0x1e2: {  	v16 =	vld [tilespmem:$0x17E50];
	v8 =	vmul.f32 v8, v4;
	v10 =	vmul.f32 v9, v63  }
0x1e3: {  	v18 =	vld [tilespmem:$0x17DF0]  }
0x1e4: {  	v21 =	vmovc v24;
	v24 =	vld [tilespmem:$0x17E70];
	v35 =	vmul.f32 v14, v14;
	v8 =	vsub.f32 $1.500000000e+00, v8;
	v10 =	vsub.f32 $1.500000000e+00, v10  }
0x1e5: {  	v12 =	vmul.f32 $7.812500000e-03, v32;
	v33 =	vmul.f32 v6, v7  }
0x1e6: {  	v4 =	vmul.f32 v8, v4;
	v8 =	vmul.f32 v9, v10;
	v9 =	vld [tilespmem:$0x17DE0]  }
0x1e7: {  	v17 =	vld [tilespmem:$0x17E60];
	v15 =	vmul.f32 $7.812500000e-03, v34;
	v36 =	vmul.f32 $7.812500000e-03, v16  }
0x1e8: {  	v18 =	vmul.f32 $7.812500000e-03, v18;
	v12 =	vsub.f32 v12, v35;
	v13 =	vmul.f32 v33, v6  }
0x1e9: {  	v24 =	vmul.f32 $7.812500000e-03, v24;
	v16 =	vmul.f32 v15, v15  }
0x1ea: {  	v2 =	vmul.f32 v5, v2;
	v12 =	vadd.f32 $9.999999960e-13, v12;
	v10 =	vsub.f32 $1.500000000e+00, v13  }
0x1eb: {  	v3 =	vmul.f32 v4, v3;
	v13 =	vsub.f32 v36, v16;
	v9 =	vmul.f32 $7.812500000e-03, v9  }
0x1ec: {  	v16 =	vmul.f32 $7.812500000e-03, v17;
	v17 =	vshra.s32 v12, $0x1;
	v12 =	vmul.f32 $5.000000000e-01, v12  }
0x1ed: {  	v45 =	vmovc v25;
	v17 =	vsub.s32 $0x5F3759DF, v17;
	v6 =	vmul.f32 v10, v6;
	v25 =	vmul.f32 v9, v9  }
0x1ee: {  	v10 =	vmul.f32 v8, v11;
	v13 =	vadd.f32 $9.999999960e-13, v13;
	v26 =	vmul.f32 v17, v12  }
0x1ef: {  	v7 =	vmul.f32 v6, v7;
	v16 =	vsub.f32 v16, v25;
	v25 =	vmul.f32 v18, v18  }
0x1f0: {  	v10 =	vmul.f32 v10, v8;
	v27 =	vshra.s32 v13, $0x1;
	v13 =	vmul.f32 $5.000000000e-01, v13  }
0x1f1: {  	v27 =	vsub.s32 $0x5F3759DF, v27;
	v16 =	vadd.f32 $9.999999960e-13, v16;
	v24 =	vsub.f32 v24, v25  }
0x1f2: {  	v25 =	vmul.f32 v17, v26;
	v26 =	vmul.f32 v27, v13  }
0x1f3: {  	v28 =	vshra.s32 v16, $0x1;
	v16 =	vmul.f32 $5.000000000e-01, v16;
	v24 =	vadd.f32 $9.999999960e-13, v24  }
0x1f4: {  	v25 =	vsub.f32 $1.500000000e+00, v25;
	v26 =	vmul.f32 v27, v26;
	v28 =	vsub.s32 $0x5F3759DF, v28  }
0x1f5: {  	v29 =	vmul.f32 v28, v16;
	v30 =	vshra.s32 v24, $0x1;
	v24 =	vmul.f32 $5.000000000e-01, v24  }
0x1f6: {  	v17 =	vmul.f32 v17, v25;
	v25 =	vsub.f32 $1.500000000e+00, v26;
	v26 =	vsub.s32 $0x5F3759DF, v30  }
0x1f7: {  	v10 =	vsub.f32 $1.500000000e+00, v10;
	v29 =	vmul.f32 v28, v29;
	v30 =	vmul.f32 v26, v24  }
0x1f8: {  	v31 =	vmul.f32 v17, v12;
	v25 =	vmul.f32 v27, v25  }
0x1f9: {  	v8 =	vmul.f32 v10, v8;
	v10 =	vsub.f32 $1.500000000e+00, v29;
	v27 =	vmul.f32 v26, v30  }
0x1fa: {  	v29 =	vmul.f32 v31, v17;
	v30 =	vmul.f32 v25, v13  }
0x1fb: {  	v7 =	vmul.f32 v7, v6;
	v10 =	vmul.f32 v28, v10;
	v27 =	vsub.f32 $1.500000000e+00, v27  }
0x1fc: {  	v11 =	vmul.f32 v8, v11;
	v28 =	vsub.f32 $1.500000000e+00, v29;
	v29 =	vmul.f32 v30, v25  }
0x1fd: {  	v30 =	vmul.f32 v10, v16;
	v26 =	vmul.f32 v26, v27  }
0x1fe: {  	v11 =	vmul.f32 v11, v8;
	v17 =	vmul.f32 v28, v17;
	v27 =	vsub.f32 $1.500000000e+00, v29  }
0x1ff: {  	v7 =	vsub.f32 $1.500000000e+00, v7;
	v28 =	vmul.f32 v30, v10;
	v29 =	vmul.f32 v26, v24  }
0x200: {  	v12 =	vmul.f32 v17, v12;
	v25 =	vmul.f32 v27, v25  }
0x201: {  	v6 =	vmul.f32 v7, v6;
	v7 =	vsub.f32 $1.500000000e+00, v28;
	v27 =	vmul.f32 v29, v26  }
0x202: {  	[tilespmem:$0x17C00] =	vst v5;
	v5 =	vsub.f32 $1.500000000e+00, v11;
	v11 =	vmul.f32 v12, v17;
	v37 =	vmul.f32 v25, v13  }
0x203: {  	[tilespmem:$0x17C80] =	vst v2;
	v1 =	vmul.f32 v6, v1;
	v2 =	vmul.f32 v7, v10;
	v7 =	vsub.f32 $1.500000000e+00, v27  }
0x204: {  	[tilespmem:$0x17C10] =	vst v4;
	v4 =	vmul.f32 v5, v8;
	v5 =	vsub.f32 $1.500000000e+00, v11;
	v8 =	vmul.f32 v37, v25  }
0x205: {  	[tilespmem:$0x17C90] =	vst v3;
	v3 =	vmul.f32 v2, v16;
	v7 =	vmul.f32 v7, v26  }
0x206: {  	v53 =	vld [tilespmem:$0x1FF60];
	[tilespmem:$0x17C20] =	vst v6;
	v0 =	vmul.f32 v4, v0;
	v5 =	vmul.f32 v5, v17  }
0x207: {  	v51 =	vld [tilespmem:$0x1FF40];
	[tilespmem:$0x17CA0] =	vst v1;
	v1 =	vsub.f32 $1.500000000e+00, v8;
	v3 =	vmul.f32 v3, v2;
	v6 =	vmul.f32 v7, v24  }
0x208: {  	v52 =	vld [tilespmem:$0x1FF50];
	[tilespmem:$0x17C30] =	vst v4;
	v4 =	vmul.f32 v5, v14  }
0x209: {  	v48 =	vld [tilespmem:$0x1FF10];
	[tilespmem:$0x17CB0] =	vst v0;
	v0 =	vmul.f32 v1, v25;
	v1 =	vsub.f32 $1.500000000e+00, v3;
	v3 =	vmul.f32 v6, v7  }
0x20a: {  	v59 =	vld [tilespmem:$0x1FFC0];
	[tilespmem:$0x17C40] =	vst v5  }
0x20b: {  	v60 =	vld [tilespmem:$0x1FFD0];
	[tilespmem:$0x17CC0] =	vst v4;
	v4 =	vmul.f32 v0, v15;
	v1 =	vmul.f32 v1, v2;
	v2 =	vsub.f32 $1.500000000e+00, v3  }
0x20c: {  	v47 =	vld [tilespmem:$0x1FF00];
	[tilespmem:$0x17C50] =	vst v0  }
0x20d: {  	v56 =	vld [tilespmem:$0x1FF90];
	[tilespmem:$0x17CD0] =	vst v4;
	v0 =	vmul.f32 v1, v9;
	v2 =	vmul.f32 v2, v7  }
0x20e: {  	v55 =	vld [tilespmem:$0x1FF80];
	[tilespmem:$0x17C60] =	vst v1  }
0x20f: {  	v49 =	vld [tilespmem:$0x1FF20];
	[tilespmem:$0x17CE0] =	vst v0;
	v0 =	vmul.f32 v2, v18  }
0x210: {  	v50 =	vld [tilespmem:$0x1FF30];
	[tilespmem:$0x17C70] =	vst v2  }
0x211: {  	v61 =	vld [tilespmem:$0x1FFE0];
	[tilespmem:$0x17CF0] =	vst v0  }
0x212: {  	v0 =	vld [tilespmem:s3+$0xFFFFFF80]  }
0x213: {  	v1 =	vld [tilespmem:s3+$0xA0]  }
0x214: {  	v2 =	vld [tilespmem:s3+$0xE0]  }
0x215: {  	s17 =	simm.s32 $0x2;
	v3 =	vld [tilespmem:s3+$0xC0]  }
0x216: {  	v4 =	vmov s17;
	v5 =	vld [tilespmem:s3+$0x70]  }
0x217: {  	v6 =	vor.u32 $0x80, v4;
	v7 =	vld [tilespmem:s3+$0x60]  }
0x218: {  	s18 =	simm.s32 $0x1;
	v8 =	vld [tilespmem:s3+$0x50]  }
0x219: {  	s19 =	simm.s32 $0x3;
	v9 =	vmov s18;
	v10 =	vld [tilespmem:s3+$0x10]  }
0x21a: {  	v11 =	vmov s19;
	v38 =	vld [tilespmem:s3+$0xFFFFFFA0]  }
0x21b: {  	v39 =	vld [tilespmem:s3+$0x0]  }
0x21c: {  	v40 =	vor.u32 $0x80, v11;
	v25 =	vld.idx.msk [tilespmem:v6+s25+$0x0], $0xffff  }
0x21d: {  	v32 =	vld.idx.msk [tilespmem:v4+s25+$0x0], $0xffff  }
0x21e: {  	v30 =	vld.idx.msk [tilespmem:v9+s25+$0x0], $0xffff  }
0x21f: {  	v4 =	vld.idx.msk [tilespmem:v11+s25+$0x0], $0xffff  }
0x220: {  	v6 =	vld [tilespmem:s3+$0xF0]  }
0x221: {  	v24 =	vld.idx.msk [tilespmem:v40+s25+$0x0], $0xffff  }
0x222: {  	v11 =	vld [tilespmem:s3+$0xD0]  }
0x223: {  	v41 =	vld [tilespmem:s3+$0x80]  }
0x224: {  	v15 =	vld [tilespmem:s3+$0xFFFFFF70];
	v33 =	vmul.f32 v7, v32;
	v26 =	vmul.f32 v0, v30  }
0x225: {  	v13 =	vld [tilespmem:s3+$0xFFFFFFF0];
	v2 =	vmul.f32 v2, v4;
	v31 =	vmul.f32 v5, v32  }
0x226: {  	v42 =	vld [tilespmem:s3+$0xFFFFFFC0];
	v5 =	vmul.f32 v6, v4;
	v6 =	vor.u32 $0x80, v9;
	v12 =	vmul.f32 v38, v30  }
0x227: {  	v0 =	vld [tilespmem:s3+$0x90];
	v1 =	vmul.f32 v1, v4;
	v11 =	vmul.f32 v11, v4  }
0x228: {  	s20 =	simm.s32 $0x0;
	v7 =	vld [tilespmem:s3+$0xB0];
	v27 =	vmul.f32 v39, v32;
	v28 =	vmul.f32 v3, v4;
	v5 =	vsub.f32 v5, v24  }
0x229: {  	v9 =	vld [tilespmem:s3+$0x20];
	v3 =	vsub.f32 v11, v24;
	v11 =	vmov s20;
	v2 =	vsub.f32 v2, v24  }
0x22a: {  	v16 =	vld [tilespmem:s3+$0xFFFFFFB0];
	v29 =	vmul.f32 v8, v32;
	v8 =	vmul.f32 v41, v4;
	v1 =	vsub.f32 v1, v24  }
0x22b: {  	v17 =	vor.u32 $0x80, v11;
	v5 =	vmul.f32 v5, v53;
	v2 =	vmul.f32 v2, v52;
	v34 =	vld.idx.msk [tilespmem:v6+s25+$0x0], $0xffff  }
0x22c: {  	v38 =	vsub.f32 v8, v24;
	v3 =	vmul.f32 v3, v51;
	v6 =	vmul.f32 v10, v32;
	v10 =	vld [tilespmem:s3+$0xFFFFFFD0]  }
0x22d: {  	v0 =	vmul.f32 v0, v4;
	v4 =	vmul.f32 v7, v4;
	v7 =	vadd.f32 v2, v60;
	v2 =	vld [tilespmem:s3+$0xFFFFFF40]  }
0x22e: {  	v37 =	vmul.f32 v9, v32;
	v9 =	vadd.f32 v3, v59;
	v5 =	vadd.f32 v5, v61;
	v11 =	vld.idx.msk [tilespmem:v11+s25+$0x0], $0xffff  }
0x22f: {  	v8 =	vld [tilespmem:s3+$0xFFFFFFE0];
	v1 =	vmul.f32 v1, v48;
	v0 =	vsub.f32 v0, v24;
	v39 =	vsub.f32 v6, v25  }
0x230: {  	v14 =	vmul.f32 v42, v30;
	v36 =	vsub.f32 v4, v24;
	v41 =	vld.idx.msk [tilespmem:v17+s25+$0x0], $0xffff;
	v4 =	vsub.f32 v12, v34  }
0x231: {  	v3 =	vld [tilespmem:s3+$0xFFFFFF10];
	v6 =	vadd.f32 v1, v56;
	v1 =	vmul.f32 v16, v30;
	[tilespmem:s3+$0xE0] =	vst v7;
	v0 =	vmul.f32 v0, v47  }
0x232: {  	v57 =	vld [tilespmem:$0x1FFA0];
	[tilespmem:s3+$0xF0] =	vst v5;
	v10 =	vmul.f32 v10, v30;
	v4 =	vmul.f32 v4, v48  }
0x233: {  	v43 =	vld [tilespmem:s3+$0xFFFFFF20];
	[tilespmem:s3+$0xD0] =	vst v9;
	v1 =	vsub.f32 v1, v34;
	v0 =	vadd.f32 v0, v55;
	v44 =	vmul.f32 v2, v11  }
0x234: {  	v8 =	vmul.f32 v8, v30;
	v16 =	vld [tilespmem:s3+$0xFFFFFF30];
	[tilespmem:s3+$0xA0] =	vst v6;
	v14 =	vsub.f32 v14, v34;
	v4 =	vadd.f32 v4, v56  }
0x235: {  	v13 =	vmul.f32 v13, v30;
	v17 =	vld [tilespmem:s3+$0xFFFFFF50];
	v10 =	vsub.f32 v10, v34;
	[tilespmem:s3+$0x90] =	vst v0;
	v58 =	vsub.f32 v44, v41  }
0x236: {  	v7 =	vld [tilespmem:s3+$0xFFFFFF60];
	v18 =	vmul.f32 v1, v49;
	v1 =	vsub.f32 v8, v34;
	v2 =	vmul.f32 v14, v50;
	[tilespmem:s3+$0xFFFFFFA0] =	vst v4  }
0x237: {  	v8 =	vsub.f32 v13, v34;
	v3 =	vmul.f32 v3, v11;
	v9 =	vmul.f32 v58, v50;
	v58 =	vld [tilespmem:$0x1FFB0]  }
0x238: {  	v46 =	vmul.f32 v15, v11;
	v5 =	vmul.f32 v43, v11;
	v54 =	vadd.f32 v18, v57;
	v18 =	vld [tilespmem:s3+$0xFFFFFF00]  }
0x239: {  	v35 =	vld [tilespmem:s3+$0xFFFFFF90];
	v62 =	vmul.f32 v16, v11;
	v42 =	vmul.f32 v8, v53;
	v8 =	vsub.f32 v3, v41  }
0x23a: {  	v40 =	vld [tilespmem:s3+$0x40];
	v0 =	vmul.f32 v17, v11;
	v3 =	vmul.f32 v10, v51;
	v5 =	vsub.f32 v5, v41  }
0x23b: {  	v63 =	vsub.f32 v62, v41;
	v6 =	vmul.f32 v8, v47;
	v8 =	vsub.f32 v46, v41;
	v4 =	vld [tilespmem:s3+$0x30];
	[tilespmem:s3+$0xFFFFFFB0] =	vst v54  }
0x23c: {  	v10 =	vmul.f32 v5, v48;
	v46 =	vld [tilespmem:$0x1FEF0];
	v5 =	vadd.f32 v9, v58;
	v9 =	vmul.f32 v7, v11  }
0x23d: {  	s16 =	simm.s32 $0x4;
	s17 =	sadd.s32 $0x200, s3;
	v54 =	vld [tilespmem:$0x1FF70];
	v7 =	vmul.f32 v18, v11;
	v11 =	vadd.f32 v6, v55;
	v6 =	vmul.f32 v63, v49  }
.LBB2_13:
0x23e: {  	s18 =	sadd.s32 $0x1, s16;
	v12 =	vld [tilespmem:s17+$0xFFFFFF80];
	s19 =	sadd.s32 $0x2, s16;
	s20 =	sadd.s32 $0x3, s16;
	v10 =	vadd.f32 v10, v56;
	v13 =	vsub.f32 v0, v41;
	v8 =	vmul.f32 v8, v53  }
0x23f: {  	p1 =	slt.u32 s16, $0x7C;
	v9 =	vsub.f32 v9, v41;
	v14 =	vmov s18;
	v15 =	vmov s19;
	v16 =	vld [tilespmem:s17+$0xA0];
	[tilespmem:s3+$0xFFFFFF10] =	vst v11;
	s18 =	smov.u32 s16;
	s16 =	sadd.s32 $0x4, s16  }
0x240: {  	v7 =	vsub.f32 v7, v41;
	v0 =	vor.u32 $0x80, v14;
	v11 =	vor.u32 $0x80, v15;
	v17 =	vld [tilespmem:s17+$0xE0];
	[tilespmem:s3+$0xFFFFFF40] =	vst v5  }
0x241: {  	v6 =	vadd.f32 v6, v57;
	v5 =	vmov s20;
	v41 =	vld [tilespmem:s17+$0xC0];
	[tilespmem:s3+$0xFFFFFF20] =	vst v10;
	v10 =	vmul.f32 v13, v51  }
0x242: {  	v3 =	vadd.f32 v3, v59;
	v9 =	vmul.f32 v9, v52;
	v8 =	vadd.f32 v8, v61;
	v13 =	vld [tilespmem:s17+$0x70]  }
0x243: {  	v1 =	vmul.f32 v1, v52;
	v18 =	vor.u32 $0x80, v5;
	v43 =	vld [tilespmem:s17+$0x40];
	[tilespmem:s3+$0xFFFFFF30] =	vst v6;
	v6 =	vadd.f32 v10, v59  }
0x244: {  	v2 =	vadd.f32 v2, v58;
	v7 =	vmul.f32 v7, v46;
	v10 =	vld [tilespmem:s17+$0x60];
	[tilespmem:s3+$0xFFFFFF70] =	vst v8;
	v8 =	vadd.f32 v42, v61  }
0x245: {  	v30 =	vmul.f32 v35, v30;
	v1 =	vadd.f32 v1, v60;
	v42 =	vld [tilespmem:s17+$0x50];
	[tilespmem:s3+$0xFFFFFFD0] =	vst v3;
	v3 =	vsub.f32 v33, v25  }
0x246: {  	v7 =	vadd.f32 v7, v54;
	v35 =	vld [tilespmem:s17+$0xFFFFFF90];
	[tilespmem:s3+$0xFFFFFFC0] =	vst v2;
	v2 =	vmul.f32 v4, v32;
	v4 =	vsub.f32 v31, v25  }
0x247: {  	v44 =	vld [tilespmem:s17+$0x10];
	[tilespmem:s3+$0xFFFFFF50] =	vst v6;
	v6 =	vsub.f32 v26, v34;
	v26 =	vsub.f32 v30, v34;
	v3 =	vmul.f32 v3, v52  }
0x248: {  	v9 =	vadd.f32 v9, v60;
	v34 =	vld [tilespmem:s17+$0xFFFFFFA0];
	[tilespmem:s3+$0xFFFFFFE0] =	vst v1;
	v1 =	vsub.f32 v2, v25;
	v2 =	vmul.f32 v4, v53  }
0x249: {  	v4 =	vld [tilespmem:s17+$0x0];
	[tilespmem:s3+$0xFFFFFF00] =	vst v7;
	v6 =	vmul.f32 v6, v46;
	v7 =	vmul.f32 v26, v47;
	v3 =	vadd.f32 v3, v60  }
0x24a: {  	v31 =	vmul.f32 v38, v46;
	v26 =	vsub.f32 v37, v25;
	v11 =	vld.idx.msk [tilespmem:v11+s25+$0x0], $0xffff;
	v2 =	vadd.f32 v2, v61  }
0x24b: {  	v1 =	vmul.f32 v1, v49;
	v15 =	vld.idx.msk [tilespmem:v15+s25+$0x0], $0xffff;
	v6 =	vadd.f32 v6, v54;
	v7 =	vadd.f32 v7, v55  }
0x24c: {  	v30 =	vld.idx.msk [tilespmem:v14+s25+$0x0], $0xffff;
	v14 =	vmul.f32 v26, v48;
	[tilespmem:s3+$0x60] =	vst v3;
	v3 =	vadd.f32 v31, v54  }
0x24d: {  	v1 =	vadd.f32 v1, v57;
	v5 =	vld.idx.msk [tilespmem:v5+s25+$0x0], $0xffff;
	[tilespmem:s3+$0xFFFFFF60] =	vst v9;
	v9 =	vmul.f32 v39, v47  }
0x24e: {  	v26 =	vmul.f32 v36, v49;
	v37 =	vld [tilespmem:s17+$0x80];
	[tilespmem:s3+$0xFFFFFF90] =	vst v7;
	v7 =	vsub.f32 v27, v25;
	v14 =	vadd.f32 v14, v56  }
0x24f: {  	v29 =	vsub.f32 v29, v25;
	v28 =	vsub.f32 v28, v24;
	v27 =	vld [tilespmem:s17+$0xF0];
	[tilespmem:s3+$0x30] =	vst v1;
	v1 =	vmul.f32 v40, v32  }
0x250: {  	v9 =	vadd.f32 v9, v55;
	v24 =	vld.idx.msk [tilespmem:v18+s25+$0x0], $0xffff;
	v7 =	vmul.f32 v7, v46;
	v18 =	vadd.f32 v26, v57  }
0x251: {  	v33 =	vmul.f32 v10, v15;
	v10 =	vld [tilespmem:s17+$0xD0];
	v1 =	vsub.f32 v1, v25;
	v25 =	vmul.f32 v29, v51;
	[tilespmem:s3+$0x80] =	vst v3  }
0x252: {  	v26 =	vmul.f32 v12, v30;
	v3 =	vld [tilespmem:s17+$0xB0];
	[tilespmem:s3+$0xFFFFFFF0] =	vst v8;
	v7 =	vadd.f32 v7, v54;
	v8 =	vmul.f32 v28, v50  }
0x253: {  	v17 =	vmul.f32 v17, v5;
	v12 =	vld [tilespmem:s17+$0x90];
	[tilespmem:s3+$0x10] =	vst v9;
	v1 =	vmul.f32 v1, v50;
	v9 =	vadd.f32 v25, v59  }
0x254: {  	v31 =	vmul.f32 v13, v15;
	v32 =	vld [tilespmem:s17+$0x20];
	v13 =	vmul.f32 v27, v5;
	[tilespmem:s3+$0x20] =	vst v14;
	v8 =	vadd.f32 v8, v58  }
0x255: {  	v16 =	vmul.f32 v16, v5;
	v14 =	vmul.f32 v34, v30;
	v1 =	vadd.f32 v1, v58;
	[tilespmem:s3+$0x50] =	vst v9  }
0x256: {  	v27 =	vmul.f32 v4, v15;
	v9 =	vld [tilespmem:s17+$0xFFFFFF70];
	v4 =	vmul.f32 v10, v5;
	v10 =	vsub.f32 v13, v24;
	[tilespmem:s3+$0x0] =	vst v7  }
0x257: {  	v29 =	vmul.f32 v42, v15;
	v16 =	vsub.f32 v16, v24;
	v13 =	vmul.f32 v37, v5;
	v7 =	vld [tilespmem:s17+$0xFFFFFFF0];
	[tilespmem:s3+$0x40] =	vst v1  }
0x258: {  	v28 =	vmul.f32 v41, v5;
	v1 =	vld [tilespmem:s17+$0xFFFFFFC0];
	v12 =	vmul.f32 v12, v5;
	v4 =	vsub.f32 v4, v24;
	[tilespmem:s3+$0x70] =	vst v2  }
0x259: {  	v40 =	vmovc v43;
	v17 =	vsub.f32 v17, v24;
	v25 =	vmovc v11;
	v2 =	vmov s18;
	v10 =	vmul.f32 v10, v53;
	v36 =	vld [tilespmem:s17+$0xFFFFFFB0];
	[tilespmem:s3+$0xC0] =	vst v8  }
0x25a: {  	v8 =	vor.u32 $0x80, v2;
	v34 =	vld.idx.msk [tilespmem:v0+s25+$0x0], $0xffff;
	v0 =	vmul.f32 v44, v15;
	v4 =	vmul.f32 v4, v51;
	[tilespmem:s3+$0xB0] =	vst v18  }
0x25b: {  	v38 =	vsub.f32 v13, v24;
	v13 =	vmul.f32 v17, v52;
	v37 =	vmul.f32 v32, v15;
	v11 =	vld [tilespmem:s17+$0xFFFFFFD0];
	[tilespmem:s3+$0xFFFFFF80] =	vst v6;
	s3 =	smov.u32 s17  }
0x25c: {  	v16 =	vmul.f32 v16, v48;
	v32 =	vmovc v15;
	v12 =	vsub.f32 v12, v24;
	v6 =	vld [tilespmem:s17+$0xFFFFFFE0];
	v4 =	vadd.f32 v4, v59  }
0x25d: {  	v3 =	vmul.f32 v3, v5;
	v5 =	vadd.f32 v13, v60;
	v10 =	vadd.f32 v10, v61;
	v15 =	vld [tilespmem:s17+$0xFFFFFF10]  }
0x25e: {  	v39 =	vsub.f32 v0, v25;
	v0 =	vmul.f32 v12, v47;
	v12 =	vadd.f32 v16, v56;
	v13 =	vld.idx.msk [tilespmem:v2+s25+$0x0], $0xffff  }
0x25f: {  	v1 =	vmul.f32 v1, v30;
	v16 =	vmul.f32 v36, v30;
	v36 =	vsub.f32 v3, v24;
	v2 =	vld [tilespmem:s17+$0xFFFFFF40];
	[tilespmem:s17+$0xE0] =	vst v5  }
0x260: {  	v0 =	vadd.f32 v0, v55;
	v3 =	vsub.f32 v14, v34;
	v41 =	vld.idx.msk [tilespmem:v8+s25+$0x0], $0xffff;
	v5 =	vmul.f32 v11, v30  }
0x261: {  	v7 =	vmul.f32 v7, v30;
	v11 =	vsub.f32 v16, v34;
	v8 =	vld [tilespmem:s17+$0xFFFFFF20];
	v6 =	vmul.f32 v6, v30;
	[tilespmem:s17+$0xF0] =	vst v10  }
0x262: {  	v14 =	vsub.f32 v1, v34;
	v3 =	vmul.f32 v3, v48;
	v10 =	vld [tilespmem:s17+$0xFFFFFF30];
	v5 =	vsub.f32 v5, v34;
	[tilespmem:s17+$0x90] =	vst v0  }
0x263: {  	v11 =	vmul.f32 v11, v49;
	v0 =	vld [tilespmem:s17+$0xFFFFFF50];
	v1 =	vsub.f32 v6, v34;
	v6 =	vsub.f32 v7, v34;
	[tilespmem:s17+$0xD0] =	vst v4  }
0x264: {  	v3 =	vadd.f32 v3, v56;
	v4 =	vmul.f32 v2, v13;
	v2 =	vmul.f32 v14, v50;
	[tilespmem:s17+$0xA0] =	vst v12  }
0x265: {  	v7 =	vmul.f32 v15, v13;
	v9 =	vmul.f32 v9, v13;
	v11 =	vadd.f32 v11, v57;
	v12 =	vld [tilespmem:s17+$0xFFFFFF60]  }
0x266: {  	v42 =	vmul.f32 v6, v53;
	v14 =	vld [tilespmem:s17+$0xFFFFFF00];
	v8 =	vmul.f32 v8, v13;
	v4 =	vsub.f32 v4, v41;
	[tilespmem:s17+$0xFFFFFFA0] =	vst v3  }
.Ltmp5:
0x267: {  	v6 =	vsub.f32 v7, v41;
	v3 =	vmul.f32 v5, v51;
	v7 =	vmul.f32 v10, v13;
	[tilespmem:s17+$0xFFFFFFB0] =	vst v11;
	(pc) =	sbr.rel @p1 .LBB2_13-.Ltmp5, $4  }
0x268: {  	v5 =	vsub.f32 v8, v41;
	v4 =	vmul.f32 v4, v50;
	v0 =	vmul.f32 v0, v13  }
0x269: {  	v6 =	vmul.f32 v6, v47;
	v8 =	vsub.f32 v9, v41;
	v15 =	vsub.f32 v7, v41  }
0x26a: {  	v10 =	vmul.f32 v5, v48;
	v5 =	vadd.f32 v4, v58;
	v9 =	vmul.f32 v12, v13  }
0x26b: {  	s17 =	sadd.s32 $0x200, s17;
	v11 =	vadd.f32 v6, v55;
	v7 =	vmul.f32 v14, v13;
	v6 =	vmul.f32 v15, v49;
	v4 =	vld [tilespmem:s3+$0x30]  }
0x26c: {  	v10 =	vadd.f32 v10, v56;
	[tilespmem:s3+$0xFFFFFF40] =	vst v5  }
0x26d: {  	v0 =	vsub.f32 v0, v41;
	v8 =	vmul.f32 v8, v53;
	v3 =	vadd.f32 v3, v59;
	[tilespmem:s3+$0xFFFFFF10] =	vst v11  }
0x26e: {  	v9 =	vsub.f32 v9, v41;
	v1 =	vmul.f32 v1, v52;
	v2 =	vadd.f32 v2, v58;
	[tilespmem:s3+$0xFFFFFF20] =	vst v10  }
0x26f: {  	v30 =	vmul.f32 v35, v30;
	v35 =	vsub.f32 v33, v25;
	v62 =	vadd.f32 v6, v57;
	[tilespmem:s3+$0xFFFFFFD0] =	vst v3  }
0x270: {  	v33 =	vmul.f32 v39, v47;
	v39 =	vsub.f32 v27, v25;
	v11 =	vadd.f32 v8, v61;
	[tilespmem:s3+$0xFFFFFFC0] =	vst v2  }
0x271: {  	v63 =	vsub.f32 v7, v41;
	v1 =	vadd.f32 v1, v60;
	[tilespmem:s3+$0xFFFFFF30] =	vst v62  }
0x272: {  	v0 =	vmul.f32 v0, v51;
	v10 =	vmul.f32 v38, v46;
	v38 =	vadd.f32 v42, v61;
	[tilespmem:s3+$0xFFFFFF70] =	vst v11  }
0x273: {  	v44 =	vmul.f32 v35, v52;
	v35 =	vmul.f32 v40, v32;
	v40 =	vadd.f32 v33, v55;
	[tilespmem:s3+$0xFFFFFFE0] =	vst v1  }
0x274: {  	v43 =	vsub.f32 v30, v34;
	v52 =	vmul.f32 v9, v52;
	v0 =	vadd.f32 v0, v59;
	[tilespmem:s3+$0xFFFFFFF0] =	vst v38  }
0x275: {  	v42 =	vsub.f32 v31, v25;
	v8 =	vadd.f32 v44, v60;
	[tilespmem:s3+$0x10] =	vst v40  }
0x276: {  	v6 =	vmul.f32 v63, v46;
	v41 =	vmul.f32 v4, v32;
	v9 =	vadd.f32 v52, v60;
	[tilespmem:s3+$0xFFFFFF50] =	vst v0  }
0x277: {  	v63 =	vmul.f32 v43, v47;
	v11 =	vsub.f32 v37, v25;
	v30 =	vadd.f32 v10, v54;
	[tilespmem:s3+$0x60] =	vst v8  }
0x278: {  	v37 =	vsub.f32 v29, v25;
	v44 =	vmul.f32 v39, v46;
	v6 =	vadd.f32 v6, v54;
	[tilespmem:s3+$0xFFFFFF60] =	vst v9  }
0x279: {  	v47 =	vsub.f32 v28, v24;
	v1 =	vadd.f32 v63, v55;
	v5 =	vmul.f32 v11, v48;
	[tilespmem:s3+$0x80] =	vst v30  }
0x27a: {  	v62 =	vsub.f32 v41, v25;
	v41 =	vmul.f32 v37, v51;
	v52 =	vadd.f32 v44, v54;
	[tilespmem:s3+$0xFFFFFF00] =	vst v6  }
0x27b: {  	v2 =	vmul.f32 v42, v53;
	v53 =	vsub.f32 v26, v34;
	[tilespmem:s3+$0xFFFFFF90] =	vst v1;
	v43 =	vadd.f32 v5, v56  }
0x27c: {  	v55 =	vmul.f32 v47, v50;
	v51 =	vadd.f32 v41, v59;
	[tilespmem:s3+$0x0] =	vst v52  }
0x27d: {  	v60 =	vmul.f32 v53, v46;
	v56 =	vadd.f32 v2, v61;
	[tilespmem:s3+$0x20] =	vst v43  }
0x27e: {  	v0 =	vmul.f32 v62, v49;
	v1 =	vsub.f32 v35, v25;
	v61 =	vadd.f32 v55, v58;
	[tilespmem:s3+$0x50] =	vst v51  }
0x27f: {  	v59 =	vmul.f32 v36, v49;
	v63 =	vadd.f32 v60, v54;
	[tilespmem:s3+$0x70] =	vst v56  }
0x280: {  	p1 =	sne.s32 s5, $0x32;
	v0 =	vadd.f32 v0, v57;
	v48 =	vmul.f32 v1, v50;
	[tilespmem:s3+$0xC0] =	vst v61  }
.Ltmp6:
0x281: {  	v62 =	vadd.f32 v59, v57;
	[tilespmem:s3+$0xFFFFFF80] =	vst v63;
	(pc) =	sbr.rel @p1 .LBB2_4-.Ltmp6, $4  }
0x282: {  	s4 =	sshll.u32 s4, $0x4;
	[tilespmem:s3+$0x30] =	vst v0;
	v0 =	vadd.f32 v48, v58  }
0x283: {  	s1 =	sadd.s32 $0x3, s1;
	s31 =	sadd.s32 $0x80, s31;
	s30 =	sadd.s32 $0x80, s30;
	[tilespmem:s3+$0xB0] =	vst v62  }
0x284: {  	p0 =	por !p0, !p0;
	v15 =	vlaneseq.u32;
	v16 =	vmov v19;
	s20 =	sadd.s32 s7, s4;
	[tilespmem:s3+$0x40] =	vst v0;
	s3 =	smov.u32 s5  }
0x285: {  	v17 =	vmovc v20;
	v18 =	vmovc v21;
	v19 =	vmov v22;
	v20 =	vmov v23;
	v22 =	vmov v45;
	[hbm4b:s20+s8] =	stream.linear.scatter [tilespmem:s6], [sflag:s1], $0x4000, $0x38;
	v21 =	vld [tilespmem:$0x1FFF0]  }
0x286: {  	s29 =	sadd.s32 $0x1, s29  }
0x287: {  	_ =	swait.ge [sflag:s26], $0x4000;
	p0 =	sne.s32 s29, s12  }
.Ltmp7:
0x288: {  	[sflag:s26] =	ssyncset.done $0x0;
	(pc) =	sbr.rel @p0 .LBB2_1-.Ltmp7, $4  }
0x289: {  	[sflag:s26] =	ssyncadd.s32 $0xFFFFC000  }
0x28a: {  	_ =	swait.ge [sflag:s28], $0x4000  }
0x28b: {  	[sflag:s28] =	ssyncset.done $0x0  }
0x28c: {  	[sflag:s28] =	ssyncadd.s32 $0xFFFFC000  }
0x28d: {  	_ =	sfence.sel $0x180000  }
0x28e: {  	[bflag:$0x0] =	sbarrier.arrive $0xFFFF  }
0x28f: {  	_ =	strace $0x90000047  }
0x290: {  	s0 =	stileid.u32;
	[bflag:$0x2] =	sbarrier.arrive $0xFFFF  }
0x291: {  	p0 =	sne.s32 s0, $0x0;
	s0 =	rddreg [dreg:$0x7]  }
0x292: {  	s0 =	sadd.s32 @!p0 $0x100000, s0  }
0x293: {  	[sflag:s0] =	ssyncadd.tile.s32 @!p0 $0x1;
	_ =	shalt  }
.Lfunc_end2:
_tile_overlayer_lowered:
.L_overlay_start_2:
0x294: {  	(tag) =	ssettag $0x2  }
0x295: {  	s0 =	rddreg [dreg:$0x0];
	s2 =	stileid.u32  }
0x296: {  	s1 =	rddreg [dreg:$0x1];
	p0 =	sne.s32 s2, $0x0  }
0x297: {  	s3 =	rddreg [dreg:$0x2];
	[bflag:$0x3] =	sbarrier.arrive $0xFFFF;
	s2 =	simm.s32 @!p0 $0x1C05  }
0x298: {  	[timem:s3], [sflag:s2] =	dma.local @!p0 [hbm:s0], s1  }
0x299: {  	s0 =	simm.s32 @!p0 $0x5  }
0x29a: {  	_ =	swait.ge @!p0 [sflag:s0], s1  }
0x29b: {  	s1 =	ssub.s32 @!p0 $0x0, s1;
	[sflag:s0] =	ssyncset.done @!p0 $0x0  }
0x29c: {  	[sflag:s0] =	ssyncadd.s32 @!p0 s1  }
0x29d: {  	[bflag:$0x3] =	sbarrier.arrive $0xFFFF  }
0x29e: {  	_ =	shalt  }

</sc_bundles>
